<compile_context>
chip_gen: v7x
topology: tpu7x:2x2x1
jax: 0.10.2.dev20260603
libtpu: 0.0.44.dev20260713+nightly
codegen_flags: <defaults>
</compile_context>

<pallas_src>
import functools

import jax
import jax.numpy as jnp
from jax import lax
from jax.experimental import pallas as pl
from jax.experimental.pallas import tpu as pltpu
from jax.experimental.pallas import tpu_sc as plsc

_N_EMB = 1024
_DIM = 64
_NB = 16
_ROWS = _NB * 1024
_NBH = _NB // 2
_ROWS_H = _ROWS // 2
_BLK = 512
_GRID_H = _ROWS_H // _BLK
_CCHUNK = 128
_NCC = _N_EMB // _CCHUNK
_LOSS_SCALE = 2.0 / (_ROWS * _DIM)


def _tc_body(xt_ref, e_ref, x2_ref, e2_ref, idx_ref, loss_ref, m_ref, acc_ref):
    i = pl.program_id(0)
    xt = xt_ref[0]
    e = e_ref[...]
    m_ref[...] = lax.dot_general(e + e, xt, (((1,), (0,)), ((), ())),
                                 preferred_element_type=jnp.float32)
    x2 = x2_ref[...]
    srow = lax.broadcasted_iota(jnp.int32, (_CCHUNK, _BLK), 0)
    best = None
    for c in range(_NCC):
        sl = pl.ds(c * _CCHUNK, _CCHUNK)
        dc = (x2 + e2_ref[sl, :]) - m_ref[sl, :]
        codec = srow + (c * _CCHUNK)
        if best is None:
            best, bidx = dc, codec
        else:
            lt = dc < best
            best = jnp.where(lt, dc, best)
            bidx = jnp.where(lt, codec, bidx)
    rowmin = jnp.min(best, axis=0, keepdims=True)
    idx = jnp.min(jnp.where(best == rowmin, bidx, _N_EMB), axis=0)
    idx_ref[0, 0, :] = idx

    @pl.when(i == 0)
    def _():
        acc_ref[0] = 0.0

    acc_ref[0] += jnp.sum(rowmin)

    @pl.when(i == pl.num_programs(0) - 1)
    def _():
        loss_ref[0, 0] = acc_ref[0] * _LOSS_SCALE


def _tc_call(xt, embedding, x2, e2, half=0, nsteps=_ROWS // _BLK,
             interpret=False):
    nsub = 1024 // _BLK
    boff = half * _NBH
    xoff = half * (_ROWS_H // _BLK)
    return pl.pallas_call(
        _tc_body,
        grid=(nsteps,),
        in_specs=[
            pl.BlockSpec((1, _DIM, _BLK),
                         lambda i: (boff + i // nsub, 0, i % nsub)),
            pl.BlockSpec((_N_EMB, _DIM), lambda i: (0, 0)),
            pl.BlockSpec((1, _BLK), lambda i: (0, xoff + i)),
            pl.BlockSpec((_N_EMB, 1), lambda i: (0, 0)),
        ],
        out_specs=[
            pl.BlockSpec((1, 1, _BLK), lambda i: (i, 0, 0)),
            pl.BlockSpec(memory_space=pltpu.SMEM, block_shape=(1, 1),
                         index_map=lambda i: (0, 0)),
        ],
        out_shape=[
            jax.ShapeDtypeStruct((nsteps, 1, _BLK), jnp.int32),
            jax.ShapeDtypeStruct((1, 1), jnp.float32),
        ],
        scratch_shapes=[pltpu.VMEM((_N_EMB, _BLK), jnp.float32),
                        pltpu.SMEM((1,), jnp.float32)],
        interpret=interpret,
    )(xt, embedding, x2, e2)


def _tr_body(i_ref, o_ref):
    v = i_ref[0]
    o_ref[0, :, :512] = v[:, :_DIM].T
    o_ref[0, :, 512:] = v[:, _DIM:].T


def _tr_call(q, interpret=False):
    return pl.pallas_call(
        _tr_body,
        grid=(_NB,),
        in_specs=[pl.BlockSpec((1, 512, 128), lambda i: (i, 0, 0))],
        out_specs=pl.BlockSpec((1, _DIM, 1024), lambda i: (i, 0, 0)),
        out_shape=jax.ShapeDtypeStruct((_NB, _DIM, 1024), jnp.float32),
        interpret=interpret,
    )(q)


_NW = 32
_BPW = _ROWS // _NW
_CHUNK = 128
_NCHUNK = _BPW // _CHUNK


def _sc_gather_half(embedding, idx):
    mesh = plsc.VectorSubcoreMesh(core_axis_name="c", subcore_axis_name="s")

    @functools.partial(
        pl.kernel,
        mesh=mesh,
        out_type=jax.ShapeDtypeStruct((_NB, 512, 2 * _DIM), jnp.float32),
        compiler_params=pltpu.CompilerParams(use_tc_tiling_on_sc=False),
        scratch_types=[
            pltpu.VMEM((_NCHUNK, _CHUNK), jnp.int32),
            pltpu.VMEM((_BPW, _DIM), jnp.float32),
            pltpu.SemaphoreType.DMA,
        ],
    )
    def k(table_hbm, idx_hbm, out_hbm, idx_v, rows_v, sem):
        wid = lax.axis_index("s") * 2 + lax.axis_index("c")
        base = wid * _BPW
        for c in range(_NCHUNK):
            pltpu.sync_copy(idx_hbm.at[pl.ds(base + c * _CHUNK, _CHUNK)],
                            idx_v.at[c])
        copies = []
        for c in range(_NCHUNK):
            copies.append(pltpu.async_copy(
                table_hbm.at[idx_v.at[c]],
                rows_v.at[pl.ds(c * _CHUNK, _CHUNK)], sem))
        for cp in copies:
            cp.wait()
        b = base // 1024
        p = (base % 1024) // 512
        k0 = base % 512
        pltpu.sync_copy(rows_v,
                        out_hbm.at[b, pl.ds(k0, _BPW), pl.ds(_DIM * p, _DIM)])

    return k(embedding, idx)


def kernel(inputs, embedding):
    xt = inputs.transpose(0, 2, 1)
    x2 = jnp.sum(inputs.reshape(_ROWS, _DIM) ** 2, axis=1).reshape(1, _ROWS)
    e2 = jnp.sum(embedding ** 2, axis=1).reshape(_N_EMB, 1)
    idx2d, loss = _tc_call(xt, embedding, x2, e2)
    idx = idx2d.reshape(_ROWS)
    quantized = _sc_gather_half(embedding, idx)
    qt = _tr_call(quantized)
    return (qt.transpose(0, 2, 1), loss[0, 0], idx[:, None])

# --- scband reference (transcript-rebuilt; emitter-appended) ---
"""Pipeline reference for scband-vector-quantizer-ema-88175678587408 (READ-ONLY COPY).

The authoritative reference and input builder live on the scoring server;
editing this copy changes nothing except your own understanding.
"""

import jax, jax.numpy as jnp
import numpy as np

NUM_EMBEDDINGS = 1024
EMBEDDING_DIM = 64
COMMITMENT_COST = 1.0

def setup_inputs(seed: int = 0) -> dict:
    key = jax.random.key(seed)
    k1, k2 = jax.random.split(key)
    inputs = jax.random.normal(k1, (16, 1024, EMBEDDING_DIM), dtype=jnp.float32)
    embedding = jax.random.normal(k2, (NUM_EMBEDDINGS, EMBEDDING_DIM), dtype=jnp.float32) * 0.01
    return {"inputs": inputs, "embedding": embedding}

def reference(inputs, embedding):
    input_shape = inputs.shape
    flat_input = inputs.reshape(-1, EMBEDDING_DIM)
    distances = (jnp.sum(flat_input ** 2, axis=1, keepdims=True)
                 + jnp.sum(embedding ** 2, axis=1)
                 - 2.0 * jnp.matmul(flat_input, embedding.T))
    encoding_indices = jnp.argmin(distances, axis=1)
    quantized = jnp.take(embedding, encoding_indices, axis=0).reshape(input_shape)
    e_latent_loss = jnp.mean((jax.lax.stop_gradient(quantized) - inputs) ** 2)
    q_latent_loss = jnp.mean((quantized - jax.lax.stop_gradient(inputs)) ** 2)
    loss = q_latent_loss + COMMITMENT_COST * e_latent_loss
    quantized_st = inputs + jax.lax.stop_gradient(quantized - inputs)
    return quantized_st, loss, encoding_indices[:, None]

if __name__ == "__main__":
    import jax
    _d = setup_inputs()
    print(jax.jit(kernel)(*tuple(_d.values())))

</pallas_src>

<mosaic_0001>
#map = affine_map<(d0, d1) -> (0, 0)>
#map1 = affine_map<(d0, d1) -> (0)>
#map2 = affine_map<(d0, d1) -> (0, 0, 0)>
module attributes {stable_mosaic.version = 14 : i64} {
  func.func @k(%arg0: i32, %arg1: i32, %arg2: memref<1024x64xf32, #tpu.memory_space<hbm>>, %arg3: memref<16384xi32, #tpu.memory_space<hbm>>, %arg4: memref<16x512x128xf32, #tpu.memory_space<hbm>>, %arg5: memref<4x128xi32, #tpu.memory_space<vmem>>, %arg6: memref<512x64xf32, #tpu.memory_space<vmem>>, %arg7: memref<!tpu.dma_semaphore, #tpu.memory_space<semaphore_mem>>) attributes {dimension_semantics = [#tpu.dimension_semantics<core_parallel>, #tpu.dimension_semantics<subcore_parallel>], iteration_bounds = array<i64: 2, 16>, scalar_prefetch = 0 : i64, scratch_operands = 3 : i64, tpu.core_type = #tpu.core_type<sc_vector_subcore>, window_params = [{transform_indices = #map}, {transform_indices = #map1}, {transform_indices = #map2}]} {
    %mul3A = arith.constant 2 : i32
    %mul3A_0 = arith.muli %arg1, %mul3A : i32
    %add3A = arith.addi %mul3A_0, %arg0 : i32
    %mul3A_1 = arith.constant 512 : i32
    %mul3A_2 = arith.muli %add3A, %mul3A_1 : i32
    %add3A_3 = arith.constant 0 : i32
    %add3A_4 = arith.addi %mul3A_2, %add3A_3 : i32
    %run_scoped3A = arith.constant 0 : i32
    "tpu.region"() ({
      %run_scoped3A_164 = tpu.sem_alloc : memref<!tpu.dma_semaphore, #tpu.memory_space<semaphore_mem>>
      %dma_start3A_165 = arith.constant 0 : i32
      %dma_start3A_166 = tpu.memref_slice %arg5[%run_scoped3A, %dma_start3A_165] : memref<4x128xi32, #tpu.memory_space<vmem>> -> memref<1x128xi32, #tpu.memory_space<vmem>>
      %dma_start3A_167 = tpu.memref_squeeze %dma_start3A_166 : memref<1x128xi32, #tpu.memory_space<vmem>> -> memref<128xi32, #tpu.memory_space<vmem>>
      %dma_start3A_168 = tpu.memref_slice %arg3[%add3A_4] : memref<16384xi32, #tpu.memory_space<hbm>> -> memref<128xi32, #tpu.memory_space<hbm>>
      %dma_start3A_169 = arith.constant 0 : i32
      %dma_start3A_170 = tpu.memref_slice %arg5[%run_scoped3A, %dma_start3A_169] : memref<4x128xi32, #tpu.memory_space<vmem>> -> memref<1x128xi32, #tpu.memory_space<vmem>>
      %dma_start3A_171 = tpu.memref_squeeze %dma_start3A_170 : memref<1x128xi32, #tpu.memory_space<vmem>> -> memref<128xi32, #tpu.memory_space<vmem>>
      %dma_start3A_172 = tpu.memref_slice %arg3[%add3A_4] : memref<16384xi32, #tpu.memory_space<hbm>> -> memref<128xi32, #tpu.memory_space<hbm>>
      tpu.enqueue_dma source(%dma_start3A_172 : memref<128xi32, #tpu.memory_space<hbm>>) target(%dma_start3A_171 : memref<128xi32, #tpu.memory_space<vmem>>) target_semaphore(%run_scoped3A_164 : memref<!tpu.dma_semaphore, #tpu.memory_space<semaphore_mem>>)
      %dma_wait3A_173 = arith.constant 0 : i32
      %dma_wait3A_174 = tpu.memref_slice %arg5[%run_scoped3A, %dma_wait3A_173] : memref<4x128xi32, #tpu.memory_space<vmem>> -> memref<1x128xi32, #tpu.memory_space<vmem>>
      %dma_wait3A_175 = tpu.memref_squeeze %dma_wait3A_174 : memref<1x128xi32, #tpu.memory_space<vmem>> -> memref<128xi32, #tpu.memory_space<vmem>>
      %dma_wait3A_176 = tpu.memref_slice %arg3[%add3A_4] : memref<16384xi32, #tpu.memory_space<hbm>> -> memref<128xi32, #tpu.memory_space<hbm>>
      %dma_wait3A_177 = arith.constant 0 : i32
      %dma_wait3A_178 = tpu.memref_slice %arg5[%run_scoped3A, %dma_wait3A_177] : memref<4x128xi32, #tpu.memory_space<vmem>> -> memref<1x128xi32, #tpu.memory_space<vmem>>
      %dma_wait3A_179 = tpu.memref_squeeze %dma_wait3A_178 : memref<1x128xi32, #tpu.memory_space<vmem>> -> memref<128xi32, #tpu.memory_space<vmem>>
      %dma_wait3A_180 = tpu.memref_slice %arg3[%add3A_4] : memref<16384xi32, #tpu.memory_space<hbm>> -> memref<128xi32, #tpu.memory_space<hbm>>
      tpu.wait_dma2 semaphore(%run_scoped3A_164 : memref<!tpu.dma_semaphore, #tpu.memory_space<semaphore_mem>>) src(%dma_wait3A_180 : memref<128xi32, #tpu.memory_space<hbm>>) dst(%dma_wait3A_179 : memref<128xi32, #tpu.memory_space<vmem>>)
      tpu.yield
    }) : () -> ()
    %add3A_5 = arith.constant 128 : i32
    %add3A_6 = arith.addi %mul3A_2, %add3A_5 : i32
    %run_scoped3A_7 = arith.constant 1 : i32
    "tpu.region"() ({
      %run_scoped3A_164 = tpu.sem_alloc : memref<!tpu.dma_semaphore, #tpu.memory_space<semaphore_mem>>
      %dma_start3A_165 = arith.constant 0 : i32
      %dma_start3A_166 = tpu.memref_slice %arg5[%run_scoped3A_7, %dma_start3A_165] : memref<4x128xi32, #tpu.memory_space<vmem>> -> memref<1x128xi32, #tpu.memory_space<vmem>>
      %dma_start3A_167 = tpu.memref_squeeze %dma_start3A_166 : memref<1x128xi32, #tpu.memory_space<vmem>> -> memref<128xi32, #tpu.memory_space<vmem>>
      %dma_start3A_168 = tpu.memref_slice %arg3[%add3A_6] : memref<16384xi32, #tpu.memory_space<hbm>> -> memref<128xi32, #tpu.memory_space<hbm>>
      %dma_start3A_169 = arith.constant 0 : i32
      %dma_start3A_170 = tpu.memref_slice %arg5[%run_scoped3A_7, %dma_start3A_169] : memref<4x128xi32, #tpu.memory_space<vmem>> -> memref<1x128xi32, #tpu.memory_space<vmem>>
      %dma_start3A_171 = tpu.memref_squeeze %dma_start3A_170 : memref<1x128xi32, #tpu.memory_space<vmem>> -> memref<128xi32, #tpu.memory_space<vmem>>
      %dma_start3A_172 = tpu.memref_slice %arg3[%add3A_6] : memref<16384xi32, #tpu.memory_space<hbm>> -> memref<128xi32, #tpu.memory_space<hbm>>
      tpu.enqueue_dma source(%dma_start3A_172 : memref<128xi32, #tpu.memory_space<hbm>>) target(%dma_start3A_171 : memref<128xi32, #tpu.memory_space<vmem>>) target_semaphore(%run_scoped3A_164 : memref<!tpu.dma_semaphore, #tpu.memory_space<semaphore_mem>>)
      %dma_wait3A_173 = arith.constant 0 : i32
      %dma_wait3A_174 = tpu.memref_slice %arg5[%run_scoped3A_7, %dma_wait3A_173] : memref<4x128xi32, #tpu.memory_space<vmem>> -> memref<1x128xi32, #tpu.memory_space<vmem>>
      %dma_wait3A_175 = tpu.memref_squeeze %dma_wait3A_174 : memref<1x128xi32, #tpu.memory_space<vmem>> -> memref<128xi32, #tpu.memory_space<vmem>>
      %dma_wait3A_176 = tpu.memref_slice %arg3[%add3A_6] : memref<16384xi32, #tpu.memory_space<hbm>> -> memref<128xi32, #tpu.memory_space<hbm>>
      %dma_wait3A_177 = arith.constant 0 : i32
      %dma_wait3A_178 = tpu.memref_slice %arg5[%run_scoped3A_7, %dma_wait3A_177] : memref<4x128xi32, #tpu.memory_space<vmem>> -> memref<1x128xi32, #tpu.memory_space<vmem>>
      %dma_wait3A_179 = tpu.memref_squeeze %dma_wait3A_178 : memref<1x128xi32, #tpu.memory_space<vmem>> -> memref<128xi32, #tpu.memory_space<vmem>>
      %dma_wait3A_180 = tpu.memref_slice %arg3[%add3A_6] : memref<16384xi32, #tpu.memory_space<hbm>> -> memref<128xi32, #tpu.memory_space<hbm>>
      tpu.wait_dma2 semaphore(%run_scoped3A_164 : memref<!tpu.dma_semaphore, #tpu.memory_space<semaphore_mem>>) src(%dma_wait3A_180 : memref<128xi32, #tpu.memory_space<hbm>>) dst(%dma_wait3A_179 : memref<128xi32, #tpu.memory_space<vmem>>)
      tpu.yield
    }) : () -> ()
    %add3A_8 = arith.constant 256 : i32
    %add3A_9 = arith.addi %mul3A_2, %add3A_8 : i32
    %run_scoped3A_10 = arith.constant 2 : i32
    "tpu.region"() ({
      %run_scoped3A_164 = tpu.sem_alloc : memref<!tpu.dma_semaphore, #tpu.memory_space<semaphore_mem>>
      %dma_start3A_165 = arith.constant 0 : i32
      %dma_start3A_166 = tpu.memref_slice %arg5[%run_scoped3A_10, %dma_start3A_165] : memref<4x128xi32, #tpu.memory_space<vmem>> -> memref<1x128xi32, #tpu.memory_space<vmem>>
      %dma_start3A_167 = tpu.memref_squeeze %dma_start3A_166 : memref<1x128xi32, #tpu.memory_space<vmem>> -> memref<128xi32, #tpu.memory_space<vmem>>
      %dma_start3A_168 = tpu.memref_slice %arg3[%add3A_9] : memref<16384xi32, #tpu.memory_space<hbm>> -> memref<128xi32, #tpu.memory_space<hbm>>
      %dma_start3A_169 = arith.constant 0 : i32
      %dma_start3A_170 = tpu.memref_slice %arg5[%run_scoped3A_10, %dma_start3A_169] : memref<4x128xi32, #tpu.memory_space<vmem>> -> memref<1x128xi32, #tpu.memory_space<vmem>>
      %dma_start3A_171 = tpu.memref_squeeze %dma_start3A_170 : memref<1x128xi32, #tpu.memory_space<vmem>> -> memref<128xi32, #tpu.memory_space<vmem>>
      %dma_start3A_172 = tpu.memref_slice %arg3[%add3A_9] : memref<16384xi32, #tpu.memory_space<hbm>> -> memref<128xi32, #tpu.memory_space<hbm>>
      tpu.enqueue_dma source(%dma_start3A_172 : memref<128xi32, #tpu.memory_space<hbm>>) target(%dma_start3A_171 : memref<128xi32, #tpu.memory_space<vmem>>) target_semaphore(%run_scoped3A_164 : memref<!tpu.dma_semaphore, #tpu.memory_space<semaphore_mem>>)
      %dma_wait3A_173 = arith.constant 0 : i32
      %dma_wait3A_174 = tpu.memref_slice %arg5[%run_scoped3A_10, %dma_wait3A_173] : memref<4x128xi32, #tpu.memory_space<vmem>> -> memref<1x128xi32, #tpu.memory_space<vmem>>
      %dma_wait3A_175 = tpu.memref_squeeze %dma_wait3A_174 : memref<1x128xi32, #tpu.memory_space<vmem>> -> memref<128xi32, #tpu.memory_space<vmem>>
      %dma_wait3A_176 = tpu.memref_slice %arg3[%add3A_9] : memref<16384xi32, #tpu.memory_space<hbm>> -> memref<128xi32, #tpu.memory_space<hbm>>
      %dma_wait3A_177 = arith.constant 0 : i32
      %dma_wait3A_178 = tpu.memref_slice %arg5[%run_scoped3A_10, %dma_wait3A_177] : memref<4x128xi32, #tpu.memory_space<vmem>> -> memref<1x128xi32, #tpu.memory_space<vmem>>
      %dma_wait3A_179 = tpu.memref_squeeze %dma_wait3A_178 : memref<1x128xi32, #tpu.memory_space<vmem>> -> memref<128xi32, #tpu.memory_space<vmem>>
      %dma_wait3A_180 = tpu.memref_slice %arg3[%add3A_9] : memref<16384xi32, #tpu.memory_space<hbm>> -> memref<128xi32, #tpu.memory_space<hbm>>
      tpu.wait_dma2 semaphore(%run_scoped3A_164 : memref<!tpu.dma_semaphore, #tpu.memory_space<semaphore_mem>>) src(%dma_wait3A_180 : memref<128xi32, #tpu.memory_space<hbm>>) dst(%dma_wait3A_179 : memref<128xi32, #tpu.memory_space<vmem>>)
      tpu.yield
    }) : () -> ()
    %add3A_11 = arith.constant 384 : i32
    %add3A_12 = arith.addi %mul3A_2, %add3A_11 : i32
    %run_scoped3A_13 = arith.constant 3 : i32
    "tpu.region"() ({
      %run_scoped3A_164 = tpu.sem_alloc : memref<!tpu.dma_semaphore, #tpu.memory_space<semaphore_mem>>
      %dma_start3A_165 = arith.constant 0 : i32
      %dma_start3A_166 = tpu.memref_slice %arg5[%run_scoped3A_13, %dma_start3A_165] : memref<4x128xi32, #tpu.memory_space<vmem>> -> memref<1x128xi32, #tpu.memory_space<vmem>>
      %dma_start3A_167 = tpu.memref_squeeze %dma_start3A_166 : memref<1x128xi32, #tpu.memory_space<vmem>> -> memref<128xi32, #tpu.memory_space<vmem>>
      %dma_start3A_168 = tpu.memref_slice %arg3[%add3A_12] : memref<16384xi32, #tpu.memory_space<hbm>> -> memref<128xi32, #tpu.memory_space<hbm>>
      %dma_start3A_169 = arith.constant 0 : i32
      %dma_start3A_170 = tpu.memref_slice %arg5[%run_scoped3A_13, %dma_start3A_169] : memref<4x128xi32, #tpu.memory_space<vmem>> -> memref<1x128xi32, #tpu.memory_space<vmem>>
      %dma_start3A_171 = tpu.memref_squeeze %dma_start3A_170 : memref<1x128xi32, #tpu.memory_space<vmem>> -> memref<128xi32, #tpu.memory_space<vmem>>
      %dma_start3A_172 = tpu.memref_slice %arg3[%add3A_12] : memref<16384xi32, #tpu.memory_space<hbm>> -> memref<128xi32, #tpu.memory_space<hbm>>
      tpu.enqueue_dma source(%dma_start3A_172 : memref<128xi32, #tpu.memory_space<hbm>>) target(%dma_start3A_171 : memref<128xi32, #tpu.memory_space<vmem>>) target_semaphore(%run_scoped3A_164 : memref<!tpu.dma_semaphore, #tpu.memory_space<semaphore_mem>>)
      %dma_wait3A_173 = arith.constant 0 : i32
      %dma_wait3A_174 = tpu.memref_slice %arg5[%run_scoped3A_13, %dma_wait3A_173] : memref<4x128xi32, #tpu.memory_space<vmem>> -> memref<1x128xi32, #tpu.memory_space<vmem>>
      %dma_wait3A_175 = tpu.memref_squeeze %dma_wait3A_174 : memref<1x128xi32, #tpu.memory_space<vmem>> -> memref<128xi32, #tpu.memory_space<vmem>>
      %dma_wait3A_176 = tpu.memref_slice %arg3[%add3A_12] : memref<16384xi32, #tpu.memory_space<hbm>> -> memref<128xi32, #tpu.memory_space<hbm>>
      %dma_wait3A_177 = arith.constant 0 : i32
      %dma_wait3A_178 = tpu.memref_slice %arg5[%run_scoped3A_13, %dma_wait3A_177] : memref<4x128xi32, #tpu.memory_space<vmem>> -> memref<1x128xi32, #tpu.memory_space<vmem>>
      %dma_wait3A_179 = tpu.memref_squeeze %dma_wait3A_178 : memref<1x128xi32, #tpu.memory_space<vmem>> -> memref<128xi32, #tpu.memory_space<vmem>>
      %dma_wait3A_180 = tpu.memref_slice %arg3[%add3A_12] : memref<16384xi32, #tpu.memory_space<hbm>> -> memref<128xi32, #tpu.memory_space<hbm>>
      tpu.wait_dma2 semaphore(%run_scoped3A_164 : memref<!tpu.dma_semaphore, #tpu.memory_space<semaphore_mem>>) src(%dma_wait3A_180 : memref<128xi32, #tpu.memory_space<hbm>>) dst(%dma_wait3A_179 : memref<128xi32, #tpu.memory_space<vmem>>)
      tpu.yield
    }) : () -> ()
    %dma_start3A = arith.constant 0 : i32
    %dma_start3A_14 = arith.constant 0 : i32
    %dma_start3A_15 = arith.constant 0 : i32
    %dma_start3A_16 = tpu.memref_slice %arg6[%dma_start3A_14, %dma_start3A_15] : memref<512x64xf32, #tpu.memory_space<vmem>> -> memref<128x64xf32, #tpu.memory_space<vmem>>
    %dma_start3A_17 = arith.constant 0 : i32
    %dma_start3A_18 = tpu.memref_slice %arg5[%dma_start3A, %dma_start3A_17] : memref<4x128xi32, #tpu.memory_space<vmem>> -> memref<1x128xi32, #tpu.memory_space<vmem>>
    %dma_start3A_19 = tpu.memref_squeeze %dma_start3A_18 : memref<1x128xi32, #tpu.memory_space<vmem>> -> memref<128xi32, #tpu.memory_space<vmem>>
    %dma_start3A_20 = arith.constant 0 : i32
    %dma_start3A_21 = arith.constant 0 : i32
    %dma_start3A_22 = tpu.memref_slice %arg2[%dma_start3A_20, %dma_start3A_21] : memref<1024x64xf32, #tpu.memory_space<hbm>> -> memref<1024x64xf32, #tpu.memory_space<hbm>>
    tpu.enqueue_indirect_dma source(%dma_start3A_22 : memref<1024x64xf32, #tpu.memory_space<hbm>>) target(%dma_start3A_16 : memref<128x64xf32, #tpu.memory_space<vmem>>) offsets(%dma_start3A_19 : memref<128xi32, #tpu.memory_space<vmem>>) semaphore(%arg7 : memref<!tpu.dma_semaphore, #tpu.memory_space<semaphore_mem>>)
    %dma_start3A_23 = arith.constant 1 : i32
    %dma_start3A_24 = arith.constant 128 : i32
    %dma_start3A_25 = arith.constant 0 : i32
    %dma_start3A_26 = tpu.memref_slice %arg6[%dma_start3A_24, %dma_start3A_25] : memref<512x64xf32, #tpu.memory_space<vmem>> -> memref<128x64xf32, #tpu.memory_space<vmem>>
    %dma_start3A_27 = arith.constant 0 : i32
    %dma_start3A_28 = tpu.memref_slice %arg5[%dma_start3A_23, %dma_start3A_27] : memref<4x128xi32, #tpu.memory_space<vmem>> -> memref<1x128xi32, #tpu.memory_space<vmem>>
    %dma_start3A_29 = tpu.memref_squeeze %dma_start3A_28 : memref<1x128xi32, #tpu.memory_space<vmem>> -> memref<128xi32, #tpu.memory_space<vmem>>
    %dma_start3A_30 = arith.constant 0 : i32
    %dma_start3A_31 = arith.constant 0 : i32
    %dma_start3A_32 = tpu.memref_slice %arg2[%dma_start3A_30, %dma_start3A_31] : memref<1024x64xf32, #tpu.memory_space<hbm>> -> memref<1024x64xf32, #tpu.memory_space<hbm>>
    tpu.enqueue_indirect_dma source(%dma_start3A_32 : memref<1024x64xf32, #tpu.memory_space<hbm>>) target(%dma_start3A_26 : memref<128x64xf32, #tpu.memory_space<vmem>>) offsets(%dma_start3A_29 : memref<128xi32, #tpu.memory_space<vmem>>) semaphore(%arg7 : memref<!tpu.dma_semaphore, #tpu.memory_space<semaphore_mem>>)
    %dma_start3A_33 = arith.constant 2 : i32
    %dma_start3A_34 = arith.constant 256 : i32
    %dma_start3A_35 = arith.constant 0 : i32
    %dma_start3A_36 = tpu.memref_slice %arg6[%dma_start3A_34, %dma_start3A_35] : memref<512x64xf32, #tpu.memory_space<vmem>> -> memref<128x64xf32, #tpu.memory_space<vmem>>
    %dma_start3A_37 = arith.constant 0 : i32
    %dma_start3A_38 = tpu.memref_slice %arg5[%dma_start3A_33, %dma_start3A_37] : memref<4x128xi32, #tpu.memory_space<vmem>> -> memref<1x128xi32, #tpu.memory_space<vmem>>
    %dma_start3A_39 = tpu.memref_squeeze %dma_start3A_38 : memref<1x128xi32, #tpu.memory_space<vmem>> -> memref<128xi32, #tpu.memory_space<vmem>>
    %dma_start3A_40 = arith.constant 0 : i32
    %dma_start3A_41 = arith.constant 0 : i32
    %dma_start3A_42 = tpu.memref_slice %arg2[%dma_start3A_40, %dma_start3A_41] : memref<1024x64xf32, #tpu.memory_space<hbm>> -> memref<1024x64xf32, #tpu.memory_space<hbm>>
    tpu.enqueue_indirect_dma source(%dma_start3A_42 : memref<1024x64xf32, #tpu.memory_space<hbm>>) target(%dma_start3A_36 : memref<128x64xf32, #tpu.memory_space<vmem>>) offsets(%dma_start3A_39 : memref<128xi32, #tpu.memory_space<vmem>>) semaphore(%arg7 : memref<!tpu.dma_semaphore, #tpu.memory_space<semaphore_mem>>)
    %dma_start3A_43 = arith.constant 3 : i32
    %dma_start3A_44 = arith.constant 384 : i32
    %dma_start3A_45 = arith.constant 0 : i32
    %dma_start3A_46 = tpu.memref_slice %arg6[%dma_start3A_44, %dma_start3A_45] : memref<512x64xf32, #tpu.memory_space<vmem>> -> memref<128x64xf32, #tpu.memory_space<vmem>>
    %dma_start3A_47 = arith.constant 0 : i32
    %dma_start3A_48 = tpu.memref_slice %arg5[%dma_start3A_43, %dma_start3A_47] : memref<4x128xi32, #tpu.memory_space<vmem>> -> memref<1x128xi32, #tpu.memory_space<vmem>>
    %dma_start3A_49 = tpu.memref_squeeze %dma_start3A_48 : memref<1x128xi32, #tpu.memory_space<vmem>> -> memref<128xi32, #tpu.memory_space<vmem>>
    %dma_start3A_50 = arith.constant 0 : i32
    %dma_start3A_51 = arith.constant 0 : i32
    %dma_start3A_52 = tpu.memref_slice %arg2[%dma_start3A_50, %dma_start3A_51] : memref<1024x64xf32, #tpu.memory_space<hbm>> -> memref<1024x64xf32, #tpu.memory_space<hbm>>
    tpu.enqueue_indirect_dma source(%dma_start3A_52 : memref<1024x64xf32, #tpu.memory_space<hbm>>) target(%dma_start3A_46 : memref<128x64xf32, #tpu.memory_space<vmem>>) offsets(%dma_start3A_49 : memref<128xi32, #tpu.memory_space<vmem>>) semaphore(%arg7 : memref<!tpu.dma_semaphore, #tpu.memory_space<semaphore_mem>>)
    %dma_wait3A = arith.constant 0 : i32
    %dma_wait3A_53 = arith.constant 0 : i32
    %dma_wait3A_54 = arith.constant 0 : i32
    %dma_wait3A_55 = tpu.memref_slice %arg6[%dma_wait3A_53, %dma_wait3A_54] : memref<512x64xf32, #tpu.memory_space<vmem>> -> memref<128x64xf32, #tpu.memory_space<vmem>>
    %dma_wait3A_56 = arith.constant 0 : i32
    %dma_wait3A_57 = tpu.memref_slice %arg5[%dma_wait3A, %dma_wait3A_56] : memref<4x128xi32, #tpu.memory_space<vmem>> -> memref<1x128xi32, #tpu.memory_space<vmem>>
    %dma_wait3A_58 = tpu.memref_squeeze %dma_wait3A_57 : memref<1x128xi32, #tpu.memory_space<vmem>> -> memref<128xi32, #tpu.memory_space<vmem>>
    %dma_wait3A_59 = arith.constant 0 : i32
    %dma_wait3A_60 = arith.constant 0 : i32
    %dma_wait3A_61 = tpu.memref_slice %arg2[%dma_wait3A_59, %dma_wait3A_60] : memref<1024x64xf32, #tpu.memory_space<hbm>> -> memref<1024x64xf32, #tpu.memory_space<hbm>>
    tpu.wait_indirect_dma semaphore(%arg7 : memref<!tpu.dma_semaphore, #tpu.memory_space<semaphore_mem>>) src(%dma_wait3A_61 : memref<1024x64xf32, #tpu.memory_space<hbm>>) dst(%dma_wait3A_55 : memref<128x64xf32, #tpu.memory_space<vmem>>)
    %dma_wait3A_62 = arith.constant 1 : i32
    %dma_wait3A_63 = arith.constant 128 : i32
    %dma_wait3A_64 = arith.constant 0 : i32
    %dma_wait3A_65 = tpu.memref_slice %arg6[%dma_wait3A_63, %dma_wait3A_64] : memref<512x64xf32, #tpu.memory_space<vmem>> -> memref<128x64xf32, #tpu.memory_space<vmem>>
    %dma_wait3A_66 = arith.constant 0 : i32
    %dma_wait3A_67 = tpu.memref_slice %arg5[%dma_wait3A_62, %dma_wait3A_66] : memref<4x128xi32, #tpu.memory_space<vmem>> -> memref<1x128xi32, #tpu.memory_space<vmem>>
    %dma_wait3A_68 = tpu.memref_squeeze %dma_wait3A_67 : memref<1x128xi32, #tpu.memory_space<vmem>> -> memref<128xi32, #tpu.memory_space<vmem>>
    %dma_wait3A_69 = arith.constant 0 : i32
    %dma_wait3A_70 = arith.constant 0 : i32
    %dma_wait3A_71 = tpu.memref_slice %arg2[%dma_wait3A_69, %dma_wait3A_70] : memref<1024x64xf32, #tpu.memory_space<hbm>> -> memref<1024x64xf32, #tpu.memory_space<hbm>>
    tpu.wait_indirect_dma semaphore(%arg7 : memref<!tpu.dma_semaphore, #tpu.memory_space<semaphore_mem>>) src(%dma_wait3A_71 : memref<1024x64xf32, #tpu.memory_space<hbm>>) dst(%dma_wait3A_65 : memref<128x64xf32, #tpu.memory_space<vmem>>)
    %dma_wait3A_72 = arith.constant 2 : i32
    %dma_wait3A_73 = arith.constant 256 : i32
    %dma_wait3A_74 = arith.constant 0 : i32
    %dma_wait3A_75 = tpu.memref_slice %arg6[%dma_wait3A_73, %dma_wait3A_74] : memref<512x64xf32, #tpu.memory_space<vmem>> -> memref<128x64xf32, #tpu.memory_space<vmem>>
    %dma_wait3A_76 = arith.constant 0 : i32
    %dma_wait3A_77 = tpu.memref_slice %arg5[%dma_wait3A_72, %dma_wait3A_76] : memref<4x128xi32, #tpu.memory_space<vmem>> -> memref<1x128xi32, #tpu.memory_space<vmem>>
    %dma_wait3A_78 = tpu.memref_squeeze %dma_wait3A_77 : memref<1x128xi32, #tpu.memory_space<vmem>> -> memref<128xi32, #tpu.memory_space<vmem>>
    %dma_wait3A_79 = arith.constant 0 : i32
    %dma_wait3A_80 = arith.constant 0 : i32
    %dma_wait3A_81 = tpu.memref_slice %arg2[%dma_wait3A_79, %dma_wait3A_80] : memref<1024x64xf32, #tpu.memory_space<hbm>> -> memref<1024x64xf32, #tpu.memory_space<hbm>>
    tpu.wait_indirect_dma semaphore(%arg7 : memref<!tpu.dma_semaphore, #tpu.memory_space<semaphore_mem>>) src(%dma_wait3A_81 : memref<1024x64xf32, #tpu.memory_space<hbm>>) dst(%dma_wait3A_75 : memref<128x64xf32, #tpu.memory_space<vmem>>)
    %dma_wait3A_82 = arith.constant 3 : i32
    %dma_wait3A_83 = arith.constant 384 : i32
    %dma_wait3A_84 = arith.constant 0 : i32
    %dma_wait3A_85 = tpu.memref_slice %arg6[%dma_wait3A_83, %dma_wait3A_84] : memref<512x64xf32, #tpu.memory_space<vmem>> -> memref<128x64xf32, #tpu.memory_space<vmem>>
    %dma_wait3A_86 = arith.constant 0 : i32
    %dma_wait3A_87 = tpu.memref_slice %arg5[%dma_wait3A_82, %dma_wait3A_86] : memref<4x128xi32, #tpu.memory_space<vmem>> -> memref<1x128xi32, #tpu.memory_space<vmem>>
    %dma_wait3A_88 = tpu.memref_squeeze %dma_wait3A_87 : memref<1x128xi32, #tpu.memory_space<vmem>> -> memref<128xi32, #tpu.memory_space<vmem>>
    %dma_wait3A_89 = arith.constant 0 : i32
    %dma_wait3A_90 = arith.constant 0 : i32
    %dma_wait3A_91 = tpu.memref_slice %arg2[%dma_wait3A_89, %dma_wait3A_90] : memref<1024x64xf32, #tpu.memory_space<hbm>> -> memref<1024x64xf32, #tpu.memory_space<hbm>>
    tpu.wait_indirect_dma semaphore(%arg7 : memref<!tpu.dma_semaphore, #tpu.memory_space<semaphore_mem>>) src(%dma_wait3A_91 : memref<1024x64xf32, #tpu.memory_space<hbm>>) dst(%dma_wait3A_85 : memref<128x64xf32, #tpu.memory_space<vmem>>)
    %jit3A = arith.constant 1024 : i32
    %div3A = arith.divsi %mul3A_2, %jit3A : i32
    %sign3A = arith.constant 0 : i32
    %sign3A_92 = arith.cmpi sgt, %mul3A_2, %sign3A : i32
    %sign3A_93 = arith.extui %sign3A_92 : i1 to i32
    %sign3A_94 = arith.constant 0 : i32
    %sign3A_95 = arith.cmpi slt, %mul3A_2, %sign3A_94 : i32
    %sign3A_96 = arith.extui %sign3A_95 : i1 to i32
    %sign3A_97 = arith.subi %sign3A_93, %sign3A_96 : i32
    %sign3A_98 = arith.constant 0 : i32
    %sign3A_99 = arith.cmpi sgt, %jit3A, %sign3A_98 : i32
    %sign3A_100 = arith.extui %sign3A_99 : i1 to i32
    %sign3A_101 = arith.constant 0 : i32
    %sign3A_102 = arith.cmpi slt, %jit3A, %sign3A_101 : i32
    %sign3A_103 = arith.extui %sign3A_102 : i1 to i32
    %sign3A_104 = arith.subi %sign3A_100, %sign3A_103 : i32
    %ne3A = arith.cmpi ne, %sign3A_97, %sign3A_104 : i32
    %rem3A = arith.remsi %mul3A_2, %jit3A : i32
    %ne3A_105 = arith.constant 0 : i32
    %ne3A_106 = arith.cmpi ne, %rem3A, %ne3A_105 : i32
    %and3A = arith.andi %ne3A, %ne3A_106 : i1
    %sub3A = arith.constant 1 : i32
    %sub3A_107 = arith.subi %div3A, %sub3A : i32
    %select_n3A = arith.select %and3A, %sub3A_107, %div3A : i32
    %jit3A_108 = arith.constant 1024 : i32
    %eq3A = arith.constant 0 : i32
    %eq3A_109 = arith.cmpi eq, %jit3A_108, %eq3A : i32
    %jit3A_110 = arith.constant 1 : i32
    %select_n3A_111 = arith.select %eq3A_109, %jit3A_110, %jit3A_108 : i32
    %rem3A_112 = arith.remsi %mul3A_2, %select_n3A_111 : i32
    %ne3A_113 = arith.constant 0 : i32
    %ne3A_114 = arith.cmpi ne, %rem3A_112, %ne3A_113 : i32
    %lt3A = arith.constant 0 : i32
    %lt3A_115 = arith.cmpi slt, %rem3A_112, %lt3A : i32
    %lt3A_116 = arith.constant 0 : i32
    %lt3A_117 = arith.cmpi slt, %select_n3A_111, %lt3A_116 : i32
    %ne3A_118 = arith.xori %lt3A_115, %lt3A_117 : i1
    %and3A_119 = arith.andi %ne3A_118, %ne3A_114 : i1
    %add3A_120 = arith.addi %rem3A_112, %select_n3A_111 : i32
    %select_n3A_121 = arith.select %and3A_119, %add3A_120, %rem3A_112 : i32
    %jit3A_122 = arith.constant 512 : i32
    %div3A_123 = arith.divsi %select_n3A_121, %jit3A_122 : i32
    %sign3A_124 = arith.constant 0 : i32
    %sign3A_125 = arith.cmpi sgt, %select_n3A_121, %sign3A_124 : i32
    %sign3A_126 = arith.extui %sign3A_125 : i1 to i32
    %sign3A_127 = arith.constant 0 : i32
    %sign3A_128 = arith.cmpi slt, %select_n3A_121, %sign3A_127 : i32
    %sign3A_129 = arith.extui %sign3A_128 : i1 to i32
    %sign3A_130 = arith.subi %sign3A_126, %sign3A_129 : i32
    %sign3A_131 = arith.constant 0 : i32
    %sign3A_132 = arith.cmpi sgt, %jit3A_122, %sign3A_131 : i32
    %sign3A_133 = arith.extui %sign3A_132 : i1 to i32
    %sign3A_134 = arith.constant 0 : i32
    %sign3A_135 = arith.cmpi slt, %jit3A_122, %sign3A_134 : i32
    %sign3A_136 = arith.extui %sign3A_135 : i1 to i32
    %sign3A_137 = arith.subi %sign3A_133, %sign3A_136 : i32
    %ne3A_138 = arith.cmpi ne, %sign3A_130, %sign3A_137 : i32
    %rem3A_139 = arith.remsi %select_n3A_121, %jit3A_122 : i32
    %ne3A_140 = arith.constant 0 : i32
    %ne3A_141 = arith.cmpi ne, %rem3A_139, %ne3A_140 : i32
    %and3A_142 = arith.andi %ne3A_138, %ne3A_141 : i1
    %sub3A_143 = arith.constant 1 : i32
    %sub3A_144 = arith.subi %div3A_123, %sub3A_143 : i32
    %select_n3A_145 = arith.select %and3A_142, %sub3A_144, %div3A_123 : i32
    %jit3A_146 = arith.constant 512 : i32
    %eq3A_147 = arith.constant 0 : i32
    %eq3A_148 = arith.cmpi eq, %jit3A_146, %eq3A_147 : i32
    %jit3A_149 = arith.constant 1 : i32
    %select_n3A_150 = arith.select %eq3A_148, %jit3A_149, %jit3A_146 : i32
    %rem3A_151 = arith.remsi %mul3A_2, %select_n3A_150 : i32
    %ne3A_152 = arith.constant 0 : i32
    %ne3A_153 = arith.cmpi ne, %rem3A_151, %ne3A_152 : i32
    %lt3A_154 = arith.constant 0 : i32
    %lt3A_155 = arith.cmpi slt, %rem3A_151, %lt3A_154 : i32
    %lt3A_156 = arith.constant 0 : i32
    %lt3A_157 = arith.cmpi slt, %select_n3A_150, %lt3A_156 : i32
    %ne3A_158 = arith.xori %lt3A_155, %lt3A_157 : i1
    %and3A_159 = arith.andi %ne3A_158, %ne3A_153 : i1
    %add3A_160 = arith.addi %rem3A_151, %select_n3A_150 : i32
    %select_n3A_161 = arith.select %and3A_159, %add3A_160, %rem3A_151 : i32
    %mul3A_162 = arith.constant 64 : i32
    %mul3A_163 = arith.muli %mul3A_162, %select_n3A_145 : i32
    "tpu.region"() ({
      %run_scoped3A_164 = tpu.sem_alloc : memref<!tpu.dma_semaphore, #tpu.memory_space<semaphore_mem>>
      %dma_start3A_165 = tpu.memref_slice %arg4[%select_n3A, %select_n3A_161, %mul3A_163] : memref<16x512x128xf32, #tpu.memory_space<hbm>> -> memref<1x512x64xf32, #tpu.memory_space<hbm>>
      %dma_start3A_166 = tpu.memref_squeeze %dma_start3A_165 : memref<1x512x64xf32, #tpu.memory_space<hbm>> -> memref<512x64xf32, #tpu.memory_space<hbm>>
      %dma_start3A_167 = tpu.memref_slice %arg4[%select_n3A, %select_n3A_161, %mul3A_163] : memref<16x512x128xf32, #tpu.memory_space<hbm>> -> memref<1x512x64xf32, #tpu.memory_space<hbm>>
      %dma_start3A_168 = tpu.memref_squeeze %dma_start3A_167 : memref<1x512x64xf32, #tpu.memory_space<hbm>> -> memref<512x64xf32, #tpu.memory_space<hbm>>
      tpu.enqueue_dma source(%arg6 : memref<512x64xf32, #tpu.memory_space<vmem>>) target(%dma_start3A_168 : memref<512x64xf32, #tpu.memory_space<hbm>>) target_semaphore(%run_scoped3A_164 : memref<!tpu.dma_semaphore, #tpu.memory_space<semaphore_mem>>)
      %dma_wait3A_169 = tpu.memref_slice %arg4[%select_n3A, %select_n3A_161, %mul3A_163] : memref<16x512x128xf32, #tpu.memory_space<hbm>> -> memref<1x512x64xf32, #tpu.memory_space<hbm>>
      %dma_wait3A_170 = tpu.memref_squeeze %dma_wait3A_169 : memref<1x512x64xf32, #tpu.memory_space<hbm>> -> memref<512x64xf32, #tpu.memory_space<hbm>>
      %dma_wait3A_171 = tpu.memref_slice %arg4[%select_n3A, %select_n3A_161, %mul3A_163] : memref<16x512x128xf32, #tpu.memory_space<hbm>> -> memref<1x512x64xf32, #tpu.memory_space<hbm>>
      %dma_wait3A_172 = tpu.memref_squeeze %dma_wait3A_171 : memref<1x512x64xf32, #tpu.memory_space<hbm>> -> memref<512x64xf32, #tpu.memory_space<hbm>>
      tpu.wait_dma2 semaphore(%run_scoped3A_164 : memref<!tpu.dma_semaphore, #tpu.memory_space<semaphore_mem>>) src(%arg6 : memref<512x64xf32, #tpu.memory_space<vmem>>) dst(%dma_wait3A_172 : memref<512x64xf32, #tpu.memory_space<hbm>>)
      tpu.yield
    }) : () -> ()
    return
  }
}

module attributes {stable_mosaic.version = 14 : i64} {
  func.func @_tc_body(%arg0: i32, %arg1: memref<1x64x512xf32, #tpu.memory_space<vmem>>, %arg2: memref<1024x64xf32, #tpu.memory_space<vmem>>, %arg3: memref<1x512xf32, #tpu.memory_space<vmem>>, %arg4: memref<1024x1xf32, #tpu.memory_space<vmem>>, %arg5: memref<1x1x512xi32, #tpu.memory_space<vmem>>, %arg6: memref<1x1xf32, #tpu.memory_space<smem>>, %arg7: memref<1024x512xf32, #tpu.memory_space<vmem>>, %arg8: memref<1xf32, #tpu.memory_space<smem>>) attributes {dimension_semantics = [#tpu.dimension_semantics<arbitrary>], iteration_bounds = array<i64: 32>, scalar_prefetch = 0 : i64, scratch_operands = 2 : i64, tpu.core_type = #tpu.core_type<tc>, window_params = [{transform_indices = @transform_0, window_bounds = array<i64: 1, 64, 512>}, {pipeline_mode = #tpu.pipeline_mode<synchronous>, transform_indices = @transform_1, window_bounds = array<i64: 1024, 64>}, {transform_indices = @transform_2, window_bounds = array<i64: 1, 512>}, {pipeline_mode = #tpu.pipeline_mode<synchronous>, transform_indices = @transform_3, window_bounds = array<i64: 1024, 1>}, {transform_indices = @transform_4, window_bounds = array<i64: 1, 1, 512>}, {transform_indices = @transform_5, window_bounds = array<i64: 1, 1>}]} {
    %get3A = arith.constant 0 : index
    %get3A_0 = arith.constant 0 : index
    %get3A_1 = arith.constant 0 : index
    %get3A_2 = vector.load %arg1[%get3A, %get3A_0, %get3A_1] : memref<1x64x512xf32, #tpu.memory_space<vmem>>, vector<1x64x512xf32>
    %get3A_3 = vector.shape_cast %get3A_2 : vector<1x64x512xf32> to vector<64x512xf32>
    %get3A_4 = arith.constant 0 : index
    %get3A_5 = arith.constant 0 : index
    %get3A_6 = vector.load %arg2[%get3A_4, %get3A_5] : memref<1024x64xf32, #tpu.memory_space<vmem>>, vector<1024x64xf32>
    %add3A = arith.addf %get3A_6, %get3A_6 : vector<1024x64xf32>
    %dot_general3A = arith.constant dense<0.000000e+00> : vector<1024x512xf32>
    %dot_general3A_7 = tpu.matmul %add3A, %get3A_3, %dot_general3A {dimension_numbers = #tpu.dot_dimension_numbers<[1], [0], [0], [1], [0, 0, 1, 1], [], []>, transpose_lhs_hint = false} : vector<1024x64xf32>, vector<64x512xf32>, vector<1024x512xf32> -> vector<1024x512xf32>
    %swap3A = arith.constant 0 : index
    %swap3A_8 = arith.constant 0 : index
    %swap3A_9 = vector.load %arg7[%swap3A, %swap3A_8] : memref<1024x512xf32, #tpu.memory_space<vmem>>, vector<1024x512xf32>
    tpu.vector_store %arg7[%swap3A, %swap3A_8], %dot_general3A_7 {strides = array<i32>} : memref<1024x512xf32, #tpu.memory_space<vmem>>, vector<1024x512xf32>,
    %get3A_10 = arith.constant 0 : index
    %get3A_11 = arith.constant 0 : index
    %get3A_12 = vector.load %arg3[%get3A_10, %get3A_11] : memref<1x512xf32, #tpu.memory_space<vmem>>, vector<1x512xf32>
    %iota3A = tpu.iota {dimensions = array<i32: 0>} : vector<128x512xi32>
    %get3A_13 = arith.constant 0 : index
    %get3A_14 = arith.constant 0 : index
    %get3A_15 = vector.load %arg4[%get3A_13, %get3A_14] : memref<1024x1xf32, #tpu.memory_space<vmem>>, vector<128x1xf32>
    %add3A_16 = vector.broadcast %get3A_12 : vector<1x512xf32> to vector<128x512xf32>
    %add3A_17 = vector.broadcast %get3A_15 : vector<128x1xf32> to vector<128x512xf32>
    %add3A_18 = arith.addf %add3A_16, %add3A_17 : vector<128x512xf32>
    %get3A_19 = arith.constant 0 : index
    %get3A_20 = arith.constant 0 : index
    %get3A_21 = vector.load %arg7[%get3A_19, %get3A_20] : memref<1024x512xf32, #tpu.memory_space<vmem>>, vector<128x512xf32>
    %sub3A = arith.subf %add3A_18, %get3A_21 : vector<128x512xf32>
    %add3A_22 = arith.constant 0 : i32
    %add3A_23 = vector.broadcast %add3A_22 : i32 to vector<128x512xi32>
    %add3A_24 = arith.addi %iota3A, %add3A_23 : vector<128x512xi32>
    %get3A_25 = arith.constant 128 : index
    %get3A_26 = arith.constant 0 : index
    %get3A_27 = vector.load %arg4[%get3A_25, %get3A_26] : memref<1024x1xf32, #tpu.memory_space<vmem>>, vector<128x1xf32>
    %add3A_28 = vector.broadcast %get3A_12 : vector<1x512xf32> to vector<128x512xf32>
    %add3A_29 = vector.broadcast %get3A_27 : vector<128x1xf32> to vector<128x512xf32>
    %add3A_30 = arith.addf %add3A_28, %add3A_29 : vector<128x512xf32>
    %get3A_31 = arith.constant 128 : index
    %get3A_32 = arith.constant 0 : index
    %get3A_33 = vector.load %arg7[%get3A_31, %get3A_32] : memref<1024x512xf32, #tpu.memory_space<vmem>>, vector<128x512xf32>
    %sub3A_34 = arith.subf %add3A_30, %get3A_33 : vector<128x512xf32>
    %add3A_35 = arith.constant 128 : i32
    %add3A_36 = vector.broadcast %add3A_35 : i32 to vector<128x512xi32>
    %add3A_37 = arith.addi %iota3A, %add3A_36 : vector<128x512xi32>
    %lt3A = arith.cmpf olt, %sub3A_34, %sub3A : vector<128x512xf32>
    %select_n3A = arith.select %lt3A, %sub3A_34, %sub3A : vector<128x512xi1>, vector<128x512xf32>
    %select_n3A_38 = arith.select %lt3A, %add3A_37, %add3A_24 : vector<128x512xi1>, vector<128x512xi32>
    %get3A_39 = arith.constant 256 : index
    %get3A_40 = arith.constant 0 : index
    %get3A_41 = vector.load %arg4[%get3A_39, %get3A_40] : memref<1024x1xf32, #tpu.memory_space<vmem>>, vector<128x1xf32>
    %add3A_42 = vector.broadcast %get3A_12 : vector<1x512xf32> to vector<128x512xf32>
    %add3A_43 = vector.broadcast %get3A_41 : vector<128x1xf32> to vector<128x512xf32>
    %add3A_44 = arith.addf %add3A_42, %add3A_43 : vector<128x512xf32>
    %get3A_45 = arith.constant 256 : index
    %get3A_46 = arith.constant 0 : index
    %get3A_47 = vector.load %arg7[%get3A_45, %get3A_46] : memref<1024x512xf32, #tpu.memory_space<vmem>>, vector<128x512xf32>
    %sub3A_48 = arith.subf %add3A_44, %get3A_47 : vector<128x512xf32>
    %add3A_49 = arith.constant 256 : i32
    %add3A_50 = vector.broadcast %add3A_49 : i32 to vector<128x512xi32>
    %add3A_51 = arith.addi %iota3A, %add3A_50 : vector<128x512xi32>
    %lt3A_52 = arith.cmpf olt, %sub3A_48, %select_n3A : vector<128x512xf32>
    %select_n3A_53 = arith.select %lt3A_52, %sub3A_48, %select_n3A : vector<128x512xi1>, vector<128x512xf32>
    %select_n3A_54 = arith.select %lt3A_52, %add3A_51, %select_n3A_38 : vector<128x512xi1>, vector<128x512xi32>
    %get3A_55 = arith.constant 384 : index
    %get3A_56 = arith.constant 0 : index
    %get3A_57 = vector.load %arg4[%get3A_55, %get3A_56] : memref<1024x1xf32, #tpu.memory_space<vmem>>, vector<128x1xf32>
    %add3A_58 = vector.broadcast %get3A_12 : vector<1x512xf32> to vector<128x512xf32>
    %add3A_59 = vector.broadcast %get3A_57 : vector<128x1xf32> to vector<128x512xf32>
    %add3A_60 = arith.addf %add3A_58, %add3A_59 : vector<128x512xf32>
    %get3A_61 = arith.constant 384 : index
    %get3A_62 = arith.constant 0 : index
    %get3A_63 = vector.load %arg7[%get3A_61, %get3A_62] : memref<1024x512xf32, #tpu.memory_space<vmem>>, vector<128x512xf32>
    %sub3A_64 = arith.subf %add3A_60, %get3A_63 : vector<128x512xf32>
    %add3A_65 = arith.constant 384 : i32
    %add3A_66 = vector.broadcast %add3A_65 : i32 to vector<128x512xi32>
    %add3A_67 = arith.addi %iota3A, %add3A_66 : vector<128x512xi32>
    %lt3A_68 = arith.cmpf olt, %sub3A_64, %select_n3A_53 : vector<128x512xf32>
    %select_n3A_69 = arith.select %lt3A_68, %sub3A_64, %select_n3A_53 : vector<128x512xi1>, vector<128x512xf32>
    %select_n3A_70 = arith.select %lt3A_68, %add3A_67, %select_n3A_54 : vector<128x512xi1>, vector<128x512xi32>
    %get3A_71 = arith.constant 512 : index
    %get3A_72 = arith.constant 0 : index
    %get3A_73 = vector.load %arg4[%get3A_71, %get3A_72] : memref<1024x1xf32, #tpu.memory_space<vmem>>, vector<128x1xf32>
    %add3A_74 = vector.broadcast %get3A_12 : vector<1x512xf32> to vector<128x512xf32>
    %add3A_75 = vector.broadcast %get3A_73 : vector<128x1xf32> to vector<128x512xf32>
    %add3A_76 = arith.addf %add3A_74, %add3A_75 : vector<128x512xf32>
    %get3A_77 = arith.constant 512 : index
    %get3A_78 = arith.constant 0 : index
    %get3A_79 = vector.load %arg7[%get3A_77, %get3A_78] : memref<1024x512xf32, #tpu.memory_space<vmem>>, vector<128x512xf32>
    %sub3A_80 = arith.subf %add3A_76, %get3A_79 : vector<128x512xf32>
    %add3A_81 = arith.constant 512 : i32
    %add3A_82 = vector.broadcast %add3A_81 : i32 to vector<128x512xi32>
    %add3A_83 = arith.addi %iota3A, %add3A_82 : vector<128x512xi32>
    %lt3A_84 = arith.cmpf olt, %sub3A_80, %select_n3A_69 : vector<128x512xf32>
    %select_n3A_85 = arith.select %lt3A_84, %sub3A_80, %select_n3A_69 : vector<128x512xi1>, vector<128x512xf32>
    %select_n3A_86 = arith.select %lt3A_84, %add3A_83, %select_n3A_70 : vector<128x512xi1>, vector<128x512xi32>
    %get3A_87 = arith.constant 640 : index
    %get3A_88 = arith.constant 0 : index
    %get3A_89 = vector.load %arg4[%get3A_87, %get3A_88] : memref<1024x1xf32, #tpu.memory_space<vmem>>, vector<128x1xf32>
    %add3A_90 = vector.broadcast %get3A_12 : vector<1x512xf32> to vector<128x512xf32>
    %add3A_91 = vector.broadcast %get3A_89 : vector<128x1xf32> to vector<128x512xf32>
    %add3A_92 = arith.addf %add3A_90, %add3A_91 : vector<128x512xf32>
    %get3A_93 = arith.constant 640 : index
    %get3A_94 = arith.constant 0 : index
    %get3A_95 = vector.load %arg7[%get3A_93, %get3A_94] : memref<1024x512xf32, #tpu.memory_space<vmem>>, vector<128x512xf32>
    %sub3A_96 = arith.subf %add3A_92, %get3A_95 : vector<128x512xf32>
    %add3A_97 = arith.constant 640 : i32
    %add3A_98 = vector.broadcast %add3A_97 : i32 to vector<128x512xi32>
    %add3A_99 = arith.addi %iota3A, %add3A_98 : vector<128x512xi32>
    %lt3A_100 = arith.cmpf olt, %sub3A_96, %select_n3A_85 : vector<128x512xf32>
    %select_n3A_101 = arith.select %lt3A_100, %sub3A_96, %select_n3A_85 : vector<128x512xi1>, vector<128x512xf32>
    %select_n3A_102 = arith.select %lt3A_100, %add3A_99, %select_n3A_86 : vector<128x512xi1>, vector<128x512xi32>
    %get3A_103 = arith.constant 768 : index
    %get3A_104 = arith.constant 0 : index
    %get3A_105 = vector.load %arg4[%get3A_103, %get3A_104] : memref<1024x1xf32, #tpu.memory_space<vmem>>, vector<128x1xf32>
    %add3A_106 = vector.broadcast %get3A_12 : vector<1x512xf32> to vector<128x512xf32>
    %add3A_107 = vector.broadcast %get3A_105 : vector<128x1xf32> to vector<128x512xf32>
    %add3A_108 = arith.addf %add3A_106, %add3A_107 : vector<128x512xf32>
    %get3A_109 = arith.constant 768 : index
    %get3A_110 = arith.constant 0 : index
    %get3A_111 = vector.load %arg7[%get3A_109, %get3A_110] : memref<1024x512xf32, #tpu.memory_space<vmem>>, vector<128x512xf32>
    %sub3A_112 = arith.subf %add3A_108, %get3A_111 : vector<128x512xf32>
    %add3A_113 = arith.constant 768 : i32
    %add3A_114 = vector.broadcast %add3A_113 : i32 to vector<128x512xi32>
    %add3A_115 = arith.addi %iota3A, %add3A_114 : vector<128x512xi32>
    %lt3A_116 = arith.cmpf olt, %sub3A_112, %select_n3A_101 : vector<128x512xf32>
    %select_n3A_117 = arith.select %lt3A_116, %sub3A_112, %select_n3A_101 : vector<128x512xi1>, vector<128x512xf32>
    %select_n3A_118 = arith.select %lt3A_116, %add3A_115, %select_n3A_102 : vector<128x512xi1>, vector<128x512xi32>
    %get3A_119 = arith.constant 896 : index
    %get3A_120 = arith.constant 0 : index
    %get3A_121 = vector.load %arg4[%get3A_119, %get3A_120] : memref<1024x1xf32, #tpu.memory_space<vmem>>, vector<128x1xf32>
    %add3A_122 = vector.broadcast %get3A_12 : vector<1x512xf32> to vector<128x512xf32>
    %add3A_123 = vector.broadcast %get3A_121 : vector<128x1xf32> to vector<128x512xf32>
    %add3A_124 = arith.addf %add3A_122, %add3A_123 : vector<128x512xf32>
    %get3A_125 = arith.constant 896 : index
    %get3A_126 = arith.constant 0 : index
    %get3A_127 = vector.load %arg7[%get3A_125, %get3A_126] : memref<1024x512xf32, #tpu.memory_space<vmem>>, vector<128x512xf32>
    %sub3A_128 = arith.subf %add3A_124, %get3A_127 : vector<128x512xf32>
    %add3A_129 = arith.constant 896 : i32
    %add3A_130 = vector.broadcast %add3A_129 : i32 to vector<128x512xi32>
    %add3A_131 = arith.addi %iota3A, %add3A_130 : vector<128x512xi32>
    %lt3A_132 = arith.cmpf olt, %sub3A_128, %select_n3A_117 : vector<128x512xf32>
    %select_n3A_133 = arith.select %lt3A_132, %sub3A_128, %select_n3A_117 : vector<128x512xi1>, vector<128x512xf32>
    %select_n3A_134 = arith.select %lt3A_132, %add3A_131, %select_n3A_118 : vector<128x512xi1>, vector<128x512xi32>
    %reduce_min3A = arith.constant dense<0x7F800000> : vector<512xf32>
    %reduce_min3A_135 = vector.multi_reduction <minimumf>, %select_n3A_133, %reduce_min3A [0] : vector<128x512xf32> to vector<512xf32>
    %broadcast_in_dim3A = vector.shape_cast %reduce_min3A_135 : vector<512xf32> to vector<1x512xf32>
    %eq3A = vector.broadcast %broadcast_in_dim3A : vector<1x512xf32> to vector<128x512xf32>
    %eq3A_136 = arith.cmpf oeq, %select_n3A_133, %eq3A : vector<128x512xf32>
    %jit3A = arith.constant 1024 : i32
    %broadcast_in_dim3A_137 = vector.broadcast %jit3A : i32 to vector<128x512xi32>
    %select_n3A_138 = arith.select %eq3A_136, %select_n3A_134, %broadcast_in_dim3A_137 : vector<128x512xi1>, vector<128x512xi32>
    %reduce_min3A_139 = arith.constant dense<2147483647> : vector<512xi32>
    %reduce_min3A_140 = vector.multi_reduction <minsi>, %select_n3A_138, %reduce_min3A_139 [0] : vector<128x512xi32> to vector<512xi32>
    %swap3A_141 = arith.constant 0 : index
    %swap3A_142 = arith.constant 0 : index
    %swap3A_143 = arith.constant 0 : index
    %swap3A_144 = vector.load %arg5[%swap3A_141, %swap3A_142, %swap3A_143] : memref<1x1x512xi32, #tpu.memory_space<vmem>>, vector<1x1x512xi32>
    %swap3A_145 = vector.shape_cast %swap3A_144 : vector<1x1x512xi32> to vector<512xi32>
    %swap3A_146 = vector.shape_cast %reduce_min3A_140 : vector<512xi32> to vector<1x1x512xi32>
    tpu.vector_store %arg5[%swap3A_141, %swap3A_142, %swap3A_143], %swap3A_146 {strides = array<i32>} : memref<1x1x512xi32, #tpu.memory_space<vmem>>, vector<1x1x512xi32>,
    %eq3A_147 = arith.constant 0 : i32
    %eq3A_148 = arith.cmpi eq, %arg0, %eq3A_147 : i32
    %convert_element_type3A = arith.extui %eq3A_148 : i1 to i32
    %cond3A = arith.constant 0 : i32
    %cond3A_149 = arith.cmpi ne, %convert_element_type3A, %cond3A : i32
    scf.if %cond3A_149 {
      %swap3A_164 = arith.constant 0.000000e+00 : f32
      %swap3A_165 = arith.constant 0 : index
      %swap3A_166 = memref.load %arg8[%swap3A_165] : memref<1xf32, #tpu.memory_space<smem>>
      memref.store %swap3A_164, %arg8[%swap3A_165] : memref<1xf32, #tpu.memory_space<smem>>
    } else {
    }
    %get3A_150 = arith.constant 0 : index
    %get3A_151 = memref.load %arg8[%get3A_150] : memref<1xf32, #tpu.memory_space<smem>>
    %reduce_sum3A = vector.shape_cast %broadcast_in_dim3A : vector<1x512xf32> to vector<1x1x512xf32>
    %reduce_sum3A_152 = arith.constant dense<0.000000e+00> : vector<1xf32>
    %reduce_sum3A_153 = vector.multi_reduction <add>, %reduce_sum3A, %reduce_sum3A_152 [1, 2] : vector<1x1x512xf32> to vector<1xf32>
    %reduce_sum3A_154 = vector.shape_cast %reduce_sum3A_153 : vector<1xf32> to vector<1x1x1xf32>
    %reduce_sum3A_155 = vector.extract %reduce_sum3A_154[0, 0, 0] : f32 from vector<1x1x1xf32>
    %add3A_156 = arith.addf %get3A_151, %reduce_sum3A_155 : f32
    %swap3A_157 = arith.constant 0 : index
    %swap3A_158 = memref.load %arg8[%swap3A_157] : memref<1xf32, #tpu.memory_space<smem>>
    memref.store %add3A_156, %arg8[%swap3A_157] : memref<1xf32, #tpu.memory_space<smem>>
    %eq3A_159 = arith.constant 31 : i32
    %eq3A_160 = arith.cmpi eq, %arg0, %eq3A_159 : i32
    %convert_element_type3A_161 = arith.extui %eq3A_160 : i1 to i32
    %cond3A_162 = arith.constant 0 : i32
    %cond3A_163 = arith.cmpi ne, %convert_element_type3A_161, %cond3A_162 : i32
    scf.if %cond3A_163 {
      %get3A_164 = arith.constant 0 : index
      %get3A_165 = memref.load %arg8[%get3A_164] : memref<1xf32, #tpu.memory_space<smem>>
      %mul3A = arith.constant 1.90734863E-6 : f32
      %mul3A_166 = arith.mulf %get3A_165, %mul3A : f32
      %swap3A_167 = arith.constant 0 : index
      %swap3A_168 = arith.constant 0 : index
      %swap3A_169 = memref.load %arg6[%swap3A_167, %swap3A_168] : memref<1x1xf32, #tpu.memory_space<smem>>
      memref.store %mul3A_166, %arg6[%swap3A_167, %swap3A_168] : memref<1x1xf32, #tpu.memory_space<smem>>
    } else {
    }
    return
  }
  func.func @transform_0(%arg0: i32) -> (i32, i32, i32) {
    %jit3A = arith.constant 2 : i32
    %div3A = arith.divsi %arg0, %jit3A : i32
    %sign3A = arith.constant 0 : i32
    %sign3A_0 = arith.cmpi sgt, %arg0, %sign3A : i32
    %sign3A_1 = arith.extui %sign3A_0 : i1 to i32
    %sign3A_2 = arith.constant 0 : i32
    %sign3A_3 = arith.cmpi slt, %arg0, %sign3A_2 : i32
    %sign3A_4 = arith.extui %sign3A_3 : i1 to i32
    %sign3A_5 = arith.subi %sign3A_1, %sign3A_4 : i32
    %sign3A_6 = arith.constant 0 : i32
    %sign3A_7 = arith.cmpi sgt, %jit3A, %sign3A_6 : i32
    %sign3A_8 = arith.extui %sign3A_7 : i1 to i32
    %sign3A_9 = arith.constant 0 : i32
    %sign3A_10 = arith.cmpi slt, %jit3A, %sign3A_9 : i32
    %sign3A_11 = arith.extui %sign3A_10 : i1 to i32
    %sign3A_12 = arith.subi %sign3A_8, %sign3A_11 : i32
    %ne3A = arith.cmpi ne, %sign3A_5, %sign3A_12 : i32
    %rem3A = arith.remsi %arg0, %jit3A : i32
    %ne3A_13 = arith.constant 0 : i32
    %ne3A_14 = arith.cmpi ne, %rem3A, %ne3A_13 : i32
    %and3A = arith.andi %ne3A, %ne3A_14 : i1
    %sub3A = arith.constant 1 : i32
    %sub3A_15 = arith.subi %div3A, %sub3A : i32
    %select_n3A = arith.select %and3A, %sub3A_15, %div3A : i32
    %add3A = arith.constant 0 : i32
    %add3A_16 = arith.addi %add3A, %select_n3A : i32
    %jit3A_17 = arith.constant 2 : i32
    %eq3A = arith.constant 0 : i32
    %eq3A_18 = arith.cmpi eq, %jit3A_17, %eq3A : i32
    %jit3A_19 = arith.constant 1 : i32
    %select_n3A_20 = arith.select %eq3A_18, %jit3A_19, %jit3A_17 : i32
    %rem3A_21 = arith.remsi %arg0, %select_n3A_20 : i32
    %ne3A_22 = arith.constant 0 : i32
    %ne3A_23 = arith.cmpi ne, %rem3A_21, %ne3A_22 : i32
    %lt3A = arith.constant 0 : i32
    %lt3A_24 = arith.cmpi slt, %rem3A_21, %lt3A : i32
    %lt3A_25 = arith.constant 0 : i32
    %lt3A_26 = arith.cmpi slt, %select_n3A_20, %lt3A_25 : i32
    %ne3A_27 = arith.xori %lt3A_24, %lt3A_26 : i1
    %and3A_28 = arith.andi %ne3A_27, %ne3A_23 : i1
    %add3A_29 = arith.addi %rem3A_21, %select_n3A_20 : i32
    %select_n3A_30 = arith.select %and3A_28, %add3A_29, %rem3A_21 : i32
    %c0_i32 = arith.constant 0 : i32
    %c0_i32_31 = arith.constant 0 : i32
    return %add3A_16, %c0_i32, %select_n3A_30 : i32, i32, i32
  }
  func.func @transform_1(%arg0: i32) -> (i32, i32) {
    %c0_i32 = arith.constant 0 : i32
    %c0_i32_0 = arith.constant 0 : i32
    %c0_i32_1 = arith.constant 0 : i32
    return %c0_i32, %c0_i32_0 : i32, i32
  }
  func.func @transform_2(%arg0: i32) -> (i32, i32) {
    %add3A = arith.constant 0 : i32
    %add3A_0 = arith.addi %add3A, %arg0 : i32
    %c0_i32 = arith.constant 0 : i32
    %c0_i32_1 = arith.constant 0 : i32
    return %c0_i32, %add3A_0 : i32, i32
  }
  func.func @transform_3(%arg0: i32) -> (i32, i32) {
    %c0_i32 = arith.constant 0 : i32
    %c0_i32_0 = arith.constant 0 : i32
    %c0_i32_1 = arith.constant 0 : i32
    return %c0_i32, %c0_i32_0 : i32, i32
  }
  func.func @transform_4(%arg0: i32) -> (i32, i32, i32) {
    %c0_i32 = arith.constant 0 : i32
    %c0_i32_0 = arith.constant 0 : i32
    %c0_i32_1 = arith.constant 0 : i32
    return %arg0, %c0_i32, %c0_i32_0 : i32, i32, i32
  }
  func.func @transform_5(%arg0: i32) -> (i32, i32) {
    %c0_i32 = arith.constant 0 : i32
    %c0_i32_0 = arith.constant 0 : i32
    %c0_i32_1 = arith.constant 0 : i32
    return %c0_i32, %c0_i32_0 : i32, i32
  }
}

module attributes {stable_mosaic.version = 14 : i64} {
  func.func @_tr_body(%arg0: i32, %arg1: memref<1x512x128xf32, #tpu.memory_space<vmem>>, %arg2: memref<1x64x1024xf32, #tpu.memory_space<vmem>>) attributes {dimension_semantics = [#tpu.dimension_semantics<arbitrary>], iteration_bounds = array<i64: 16>, scalar_prefetch = 0 : i64, scratch_operands = 0 : i64, tpu.core_type = #tpu.core_type<tc>, window_params = [{transform_indices = @transform_0, window_bounds = array<i64: 1, 512, 128>}, {transform_indices = @transform_1, window_bounds = array<i64: 1, 64, 1024>}]} {
    %get3A = arith.constant 0 : index
    %get3A_0 = arith.constant 0 : index
    %get3A_1 = arith.constant 0 : index
    %get3A_2 = vector.load %arg1[%get3A, %get3A_0, %get3A_1] : memref<1x512x128xf32, #tpu.memory_space<vmem>>, vector<1x512x128xf32>
    %get3A_3 = vector.shape_cast %get3A_2 : vector<1x512x128xf32> to vector<512x128xf32>
    %slice3A = vector.extract_strided_slice %get3A_3 {offsets = [0, 0], sizes = [512, 64], strides = [1, 1]} : vector<512x128xf32> to vector<512x64xf32>
    %transpose3A = tpu.transpose %slice3A, [1, 0] : vector<512x64xf32> -> vector<64x512xf32>
    %swap3A = arith.constant 0 : index
    %swap3A_4 = arith.constant 0 : index
    %swap3A_5 = arith.constant 0 : index
    %swap3A_6 = vector.load %arg2[%swap3A, %swap3A_4, %swap3A_5] : memref<1x64x1024xf32, #tpu.memory_space<vmem>>, vector<1x64x512xf32>
    %swap3A_7 = vector.shape_cast %swap3A_6 : vector<1x64x512xf32> to vector<64x512xf32>
    %swap3A_8 = vector.shape_cast %transpose3A : vector<64x512xf32> to vector<1x64x512xf32>
    tpu.vector_store %arg2[%swap3A, %swap3A_4, %swap3A_5], %swap3A_8 {strides = array<i32>} : memref<1x64x1024xf32, #tpu.memory_space<vmem>>, vector<1x64x512xf32>,
    %slice3A_9 = vector.extract_strided_slice %get3A_3 {offsets = [0, 64], sizes = [512, 64], strides = [1, 1]} : vector<512x128xf32> to vector<512x64xf32>
    %transpose3A_10 = tpu.transpose %slice3A_9, [1, 0] : vector<512x64xf32> -> vector<64x512xf32>
    %swap3A_11 = arith.constant 0 : index
    %swap3A_12 = arith.constant 0 : index
    %swap3A_13 = arith.constant 512 : index
    %swap3A_14 = vector.load %arg2[%swap3A_11, %swap3A_12, %swap3A_13] : memref<1x64x1024xf32, #tpu.memory_space<vmem>>, vector<1x64x512xf32>
    %swap3A_15 = vector.shape_cast %swap3A_14 : vector<1x64x512xf32> to vector<64x512xf32>
    %swap3A_16 = vector.shape_cast %transpose3A_10 : vector<64x512xf32> to vector<1x64x512xf32>
    tpu.vector_store %arg2[%swap3A_11, %swap3A_12, %swap3A_13], %swap3A_16 {strides = array<i32>} : memref<1x64x1024xf32, #tpu.memory_space<vmem>>, vector<1x64x512xf32>,
    return
  }
  func.func @transform_0(%arg0: i32) -> (i32, i32, i32) {
    %c0_i32 = arith.constant 0 : i32
    %c0_i32_0 = arith.constant 0 : i32
    %c0_i32_1 = arith.constant 0 : i32
    return %arg0, %c0_i32, %c0_i32_0 : i32, i32, i32
  }
  func.func @transform_1(%arg0: i32) -> (i32, i32, i32) {
    %c0_i32 = arith.constant 0 : i32
    %c0_i32_0 = arith.constant 0 : i32
    %c0_i32_1 = arith.constant 0 : i32
    return %arg0, %c0_i32, %c0_i32_0 : i32, i32, i32
  }
}

</mosaic_0001>

<sc_bundles>
// kernel: kernel.5.cloned.1.call-start
scs
__scs_entry_jumppad:
0x0: {  	(pc) =	sbr.rel $0x88, $3  }
0x1: {  	(tag) =	ssettag $0x0;
	lr =	simm.s32 $0x1  }
0x2: {  	[smem:$0x3F9F] =	sst lr;
	_ =	strace $0xD0000000  }
0x3: {  	_ = 	snop  }
0x4: {  	_ = 	snop  }
0x5: {  	_ = 	snop  }
0x6: {  	_ = 	snop  }
0x7: {  	_ = 	snop  }
__scs_overlays_trampoline_lowered:
0x8: {  	[smem:$0x3FAE] =	sst s0  }
0x9: {  	[smem:$0x3FAF] =	sst s1  }
0xa: {  	[smem:$0x3FB0] =	sst s2  }
0xb: {  	[smem:$0x3FB1] =	sst s3  }
0xc: {  	[smem:$0x3FB2] =	sst s4  }
0xd: {  	[smem:$0x3FB3] =	sst s5  }
0xe: {  	[smem:$0x3FB4] =	sst s6  }
0xf: {  	[smem:$0x3FB5] =	sst s7  }
0x10: {  	[smem:$0x3FB6] =	sst s8  }
0x11: {  	[smem:$0x3FB7] =	sst s9;
	s0 =	simm.s32 @!p0 $0x0  }
0x12: {  	s1 =	sld [smem:$0x3F9D];
	s0 =	simm.s32 @p0 $0x1  }
0x13: {  	[smem:$0x3FB8] =	sst s0;
	s0 =	simm.s32 @!p1 $0x0  }
0x14: {  	s2 =	sld [smem:$0x3F9C];
	s0 =	simm.s32 @p1 $0x1  }
0x15: {  	[smem:$0x3FB9] =	sst s0;
	s0 =	simm.s32 @!p2 $0x0  }
0x16: {  	s3 =	sld [smem:$0x3FDB];
	s0 =	simm.s32 @p2 $0x1  }
0x17: {  	s4 =	simm.s32 $0x1BF5;
	[smem:$0x3FBB] =	sst s0  }
0x18: {  	s0 =	sld [smem:$0x3F9E];
	_ =	swait.ge [sflag:s4], $0x0  }
0x19: {  	s7 =	sld [smem:$0x3F9F]  }
0x1a: {  	s8 =	sadd.s32 $0xFFFFE003, lr  }
0x1b: {  	s9 =	sadd.s32 $0xFFFFFEF7, lr;
	s5 =	simm.s32 $0xFFFFFFFF;
	p2 =	slt.u32 s8, $0xFFFFF086  }
0x1c: {  	p1 =	slt.u32 s9, $0xF7A;
	s5 =	simm.s32 @!p2 $0x0  }
0x1d: {  	s5 =	simm.s32 @p1 $0x1;
	p0 =	seq.s32 s7, s2  }
0x1e: {  	s7 =	smul.u32 @!p0 $0xF7A, s2;
	p2 =	seq.s32 @!p0 s5, $0x0  }
0x1f: {  	s9 =	smul.u32 $0xF7A, s1;
	s8 =	simm.s32 @!p0 $0x1BF5;
	p2 =	por !p2, p0  }
0x20: {  	[sflag:s8] =	ssyncset.s32 @!p0 $0xFFFFF086;
	s6 =	sadd.s32 @!p0 s3, s7;
	s7 =	simm.s32 @!p0 $0x108  }
0x21: {  	s3 =	sadd.s32 s3, s9;
	s6 =	sadd.s32 @!p0 $0x88, s6;
	s7 =	simm.s32 @p2 $0x1082  }
0x22: {  	[simem:s7], [sflag:s8] =	dma.local @!p0 [hbm:s6], $0xF7A  }
0x23: {  	s9 =	sor.u32 $0xD0000000, s2;
	s6 =	simm.s32 $0x108;
	_ =	swait.ge @!p0 [sflag:s8], $0x0  }
0x24: {  	s3 =	sadd.s32 $0x88, s3;
	s6 =	simm.s32 @!p1 $0x1082;
	[sflag:s4] =	ssyncset.s32 $0xFFFFF086  }
0x25: {  	[simem:s6], [sflag:s4] =	dma.local [hbm:s3], $0xF7A  }
0x26: {  	[smem:$0x3F9F] =	sst s1;
	(tag) =	ssettag s2;
	_ =	strace s9  }
0x27: {  	s1 =	sld [smem:$0x3FAF]  }
0x28: {  	s2 =	sld [smem:$0x3FB0]  }
0x29: {  	s4 =	sld [smem:$0x3FB2]  }
0x2a: {  	p0 =	seq.s32 s5, $0x0;
	s5 =	sld [smem:$0x3FB3]  }
0x2b: {  	s6 =	sld [smem:$0x3FB4]  }
0x2c: {  	s7 =	sld [smem:$0x3FB5]  }
0x2d: {  	s3 =	simm.s32 $0x108;
	s8 =	sld [smem:$0x3FB6]  }
0x2e: {  	s3 =	simm.s32 @!p0 $0x1082;
	s9 =	sld [smem:$0x3FB7]  }
0x2f: {  	lr =	sadd.s32 s0, s3;
	s0 =	sld [smem:$0x3FAE]  }
0x30: {  	s3 =	sld [smem:$0x3FB1]  }
0x31: {  	[smem:$0x3FBA] =	sst s10  }
0x32: {  	s10 =	sld [smem:$0x3FB8];
	_ =	sdelay $0x3  }
0x33: {  	p0 =	seq.s32 s10, $0x1;
	s10 =	sld [smem:$0x3FBA];
	_ =	sdelay $0x3  }
0x34: {  	[smem:$0x3FBA] =	sst s10  }
0x35: {  	s10 =	sld [smem:$0x3FB9];
	_ =	sdelay $0x3  }
0x36: {  	p1 =	seq.s32 s10, $0x1;
	s10 =	sld [smem:$0x3FBA];
	_ =	sdelay $0x3  }
0x37: {  	[smem:$0x3FBA] =	sst s10  }
0x38: {  	s10 =	sld [smem:$0x3FBB]  }
0x39: {  	_ = 	snop;
	(pc) =	sbr.ind lr, $3  }
0x3a: {  	_ = 	snop  }
0x3b: {  	_ = 	snop  }
0x3c: {  	p2 =	seq.s32 s10, $0x1;
	s10 =	sld [smem:$0x3FBA]  }
0x3d: {  	_ =	shalt  }
0x3e: {  	_ =	shalt  }
0x3f: {  	_ =	shalt  }
0x40: {  	_ =	shalt  }
0x41: {  	_ =	shalt  }
0x42: {  	_ =	shalt  }
0x43: {  	_ =	shalt  }
0x44: {  	_ =	shalt  }
0x45: {  	_ =	shalt  }
0x46: {  	_ =	shalt  }
0x47: {  	_ =	shalt  }
0x48: {  	_ =	shalt  }
0x49: {  	_ =	shalt  }
0x4a: {  	_ =	shalt  }
0x4b: {  	_ =	shalt  }
0x4c: {  	_ =	shalt  }
0x4d: {  	_ =	shalt  }
0x4e: {  	_ =	shalt  }
0x4f: {  	_ =	shalt  }
0x50: {  	_ =	shalt  }
0x51: {  	_ =	shalt  }
0x52: {  	_ =	shalt  }
0x53: {  	_ =	shalt  }
0x54: {  	_ =	shalt  }
0x55: {  	_ =	shalt  }
0x56: {  	_ =	shalt  }
0x57: {  	_ =	shalt  }
0x58: {  	_ =	shalt  }
0x59: {  	_ =	shalt  }
0x5a: {  	_ =	shalt  }
0x5b: {  	_ =	shalt  }
0x5c: {  	_ =	shalt  }
0x5d: {  	_ =	shalt  }
0x5e: {  	_ =	shalt  }
0x5f: {  	_ =	shalt  }
0x60: {  	_ =	shalt  }
0x61: {  	_ =	shalt  }
0x62: {  	_ =	shalt  }
0x63: {  	_ =	shalt  }
0x64: {  	_ =	shalt  }
0x65: {  	_ =	shalt  }
0x66: {  	_ =	shalt  }
0x67: {  	_ =	shalt  }
0x68: {  	_ =	shalt  }
0x69: {  	_ =	shalt  }
0x6a: {  	_ =	shalt  }
0x6b: {  	_ =	shalt  }
0x6c: {  	_ =	shalt  }
0x6d: {  	_ =	shalt  }
0x6e: {  	_ =	shalt  }
0x6f: {  	_ =	shalt  }
0x70: {  	_ =	shalt  }
0x71: {  	_ =	shalt  }
0x72: {  	_ =	shalt  }
0x73: {  	_ =	shalt  }
0x74: {  	_ =	shalt  }
0x75: {  	_ =	shalt  }
0x76: {  	_ =	shalt  }
0x77: {  	_ =	shalt  }
0x78: {  	_ =	shalt  }
0x79: {  	_ =	shalt  }
0x7a: {  	_ =	shalt  }
0x7b: {  	_ =	shalt  }
0x7c: {  	_ =	shalt  }
0x7d: {  	_ =	shalt  }
0x7e: {  	_ =	shalt  }
0x7f: {  	_ =	shalt  }
0x80: {  	_ =	shalt  }
0x81: {  	_ =	shalt  }
0x82: {  	_ =	shalt  }
0x83: {  	_ =	shalt  }
0x84: {  	_ =	shalt  }
0x85: {  	_ =	shalt  }
0x86: {  	_ =	shalt  }
0x87: {  	_ =	shalt  }
.Lfunc_end0:
.L_simem_size_0:
called_computation_lowered:
.L_overlay_start_0:
0x88: {  	s2 =	sld [smem:$0x3FD9]  }
0x89: {  	s3 =	sld [smem:$0x3FFE];
	_ =	sdelay $0x1  }
0x8a: {  	s1 =	srdreg.scid  }
0x8b: {  	s0 =	sand.u32 $0x1, s1  }
0x8c: {  	s14 =	sshll.u32 s0, $0xA;
	s2 =	sadd.s32 s3, s2  }
0x8d: {  	s2 =	sadd.s32 s2, s14  }
0x8e: {  	[smem:$0x3FC6] =	sst s2  }
0x8f: {  	_ = 	snop  }
0x90: {  	s2 =	sld [smem:$0x3FD0];
	_ =	sdelay $0x2  }
0x91: {  	s15 =	simm.s32 $0xA;
	s4 =	simm.s32 $0x10  }
0x92: {  	[smem:s4], [sflag:s15] =	dma.local [hbm:s2], $0x1  }
0x93: {  	_ =	swait.eq [sflag:s15], $0x1  }
0x94: {  	[sflag:s15] =	ssyncset.done $0x0  }
0x95: {  	s16 =	sld [smem:$0x10];
	[sflag:s15] =	ssyncadd.s32 $0xFFFFFFFF  }
0x96: {  	s17 =	sld [smem:$0x12];
	(tm) =	ssettm $0x1  }
0x97: {  	s18 =	sld [smem:$0x3FFB];
	_ =	sdelay $0x3  }
0x98: {  	_ =	strace s18  }
0x99: {  	s4 =	sld [smem:$0x3FFC];
	_ =	sdelay $0x3  }
0x9a: {  	_ =	strace s4  }
0x9b: {  	s4 =	sld [smem:$0x3FFD];
	_ =	sdelay $0x3  }
0x9c: {  	_ =	strace s4  }
0x9d: {  	_ =	strace $0x8FFFFFFF  }
0x9e: {  	s19 =	sld [smem:$0x3FDB];
	_ =	sdelay $0x1  }
0x9f: {  	s5 =	simm.s32 $_scs_section_size  }
0xa0: {  	s6 =	simm.s32 $_size__tile_overlayer_lowered;
	s7 =	simm.s32 $_tile_overlayer_lowered  }
0xa1: {  	s22 =	simm.s32 $0x1BFF;
	s21 =	sshll.u32 s7, $0x1;
	s4 =	sadd.s32 s5, s19  }
0xa2: {  	s8 =	simm.s32 $0x0;
	s20 =	sshll.u32 s6, $0x1;
	s6 =	sadd.s32 s21, s4  }
0xa3: {  	[timem:s8], [sflag:s22] =	dma.local [hbm:s6], s20  }
0xa4: {  	_ =	swait.ge [sflag:s22], s20  }
0xa5: {  	s5 =	ssub.s32 $0x0, s20;
	[sflag:s22] =	ssyncset.done $0x0  }
0xa6: {  	[sflag:s22] =	ssyncadd.s32 s5;
	_ =	sdelay $0x1  }
0xa7: {  	s23 =	simm.s32 $0x1B8B  }
0xa8: {  	_ =	swait.ge [sflag:s23], $0x1  }
0xa9: {  	[sflag:s23] =	ssyncset.done $0x0  }
0xaa: {  	s25 =	simm.s32 $0x1B8E;
	s24 =	sld [smem:$0x3FFE];
	[sflag:s23] =	ssyncadd.s32 $0xFFFFFFFF  }
0xab: {  	s26 =	simm.s32 $execute0_lowered;
	[smem:$0x3FD2] =	sst s25  }
0xac: {  	s6 =	sshll.u32 s26, $0x1;
	_ =	strace $0x80000046;
	[dreg:$0x1] =	wrdreg $0xFFFFFFFF  }
0xad: {  	s28 =	simm.s32 $_size_execute0_lowered;
	s4 =	sadd.s32 s4, s6;
	[dreg:$0x0] =	wrdreg $0x0  }
0xae: {  	s6 =	sshll.u32 s28, $0x1;
	[dreg:$0x2] =	wrdreg s4  }
0xaf: {  	[dreg:$0x3] =	wrdreg s6  }
0xb0: {  	[dreg:$0x4] =	wrdreg $0xC0  }
0xb1: {  	_ =	task [dreg:s8], $0x5FFFF  }
0xb2: {  	[dreg:$0x1] =	wrdreg $0xFFFFFFFF  }
0xb3: {  	[dreg:$0x0] =	wrdreg $0x60  }
0xb4: {  	[dreg:$0x2] =	wrdreg s24  }
0xb5: {  	[dreg:$0x3] =	wrdreg s17  }
0xb6: {  	[dreg:$0x4] =	wrdreg s16  }
0xb7: {  	[dreg:$0x5] =	wrdreg $0x9  }
0xb8: {  	_ =	task.clear_ibuf [dreg:s8], $0x6FFFF;
	_ =	strace $0x90000046  }
0xb9: {  	s29 =	simm.s32 $0x9;
	_ =	strace $0x80000048  }
0xba: {  	_ =	swait.ge [sflag:s29], $0x1  }
0xbb: {  	[sflag:s29] =	ssyncadd.s32 $0xFFFFFFFF  }
0xbc: {  	_ =	strace $0x90000048  }
0xbd: {  	_ =	sfence  }
0xbe: {  	s30 =	sld [smem:$0x0];
	_ =	sdelay $0x2  }
0xbf: {  	s31 =	sshll.u32 s1, $0xD;
	s1 =	sshrl.u32 s1, $0x2  }
0xc0: {  	s3 =	sand.u32 $0x4000, s31;
	s1 =	sadd.s32 s1, s30  }
0xc1: {  	s0 =	sor.u32 s3, s0;
	s1 =	sshll.u32 s1, $0x11  }
0xc2: {  	s0 =	sor.u32 s1, s0  }
0xc3: {  	s0 =	sadd.s32 $0x8F2B, s0  }
0xc4: {  	[sflag:s0] =	ssyncadd.remote.s32 $0x1  }
0xc5: {  	_ =	sfence.sel $0xFFFF  }
0xc6: {  	[dreg:$0x0] =	wrdreg $0xFFFFFFFF;
	(pc) =	sbr.abs _section_cstart, $3  }
0xc7: {  	[dreg:$0x1] =	wrdreg $0xFFFFFFFF  }
0xc8: {  	_ =	task.clear_ibuf [dreg:s8], $0x2FFFF;
	_ =	strace $0x9FFFFFFF  }
0xc9: {  	(tm) =	ssettm $0x7FFFFFFF  }
tec
execute0_lowered:
.L_overlay_start_1:
0x0: {  	(tag) =	ssettag $0x1  }
0x1: {  	s1 =	rddreg [dreg:$0x0];
	s2 =	srdreg.scid  }
0x2: {  	s4 =	rddreg [dreg:$0x1];
	s0 =	stileid.u32;
	s18 =	sand.u32 $0x1, s2  }
0x3: {  	s17 =	rddreg [dreg:$0x2];
	s5 =	sshll.u32 s0, $0xA;
	s6 =	sshll.u32 s18, $0x9  }
0x4: {  	s3 =	simm.s32 $0x0;
	s2 =	rddreg [dreg:$0x3];
	s19 =	sor.u32 s6, s5  }
0x5: {  	[smem:$0x7FF] =	sst s3;
	s5 =	sshrl.u32 s19, $0x3  }
0x6: {  	_ =	strace $0x80000047;
	s5 =	sadd.s32 s4, s5;
	s4 =	simm.s32 $0x2  }
0x7: {  	[tilespmem:s3], [sflag:$0x2] =	stream.linear.gather [hbm4b:s5+s3], $0x80, $0x38;
	[tilespmem:$0x8200] =	vst v63  }
0x8: {  	_ =	swait.ge [sflag:s4], $0x80  }
0x9: {  	[sflag:s4] =	ssyncset.done $0x0  }
0xa: {  	s7 =	simm.s32 $0x80;
	s6 =	sadd.s32 $0x10, s5;
	[sflag:s4] =	ssyncadd.s32 $0xFFFFFF80  }
0xb: {  	[tilespmem:s7], [sflag:$0x2] =	stream.linear.gather [hbm4b:s6+s3], $0x80, $0x38;
	[tilespmem:$0x8200] =	vst v63  }
0xc: {  	_ =	swait.ge [sflag:s4], $0x80  }
0xd: {  	[sflag:s4] =	ssyncset.done $0x0  }
0xe: {  	s9 =	simm.s32 $0x100;
	s8 =	sadd.s32 $0x20, s5;
	[sflag:s4] =	ssyncadd.s32 $0xFFFFFF80  }
0xf: {  	[tilespmem:s9], [sflag:$0x2] =	stream.linear.gather [hbm4b:s8+s3], $0x80, $0x38;
	[tilespmem:$0x8200] =	vst v63  }
0x10: {  	_ =	swait.ge [sflag:s4], $0x80  }
0x11: {  	[sflag:s4] =	ssyncset.done $0x0  }
0x12: {  	s11 =	simm.s32 $0x180;
	s10 =	sadd.s32 $0x30, s5;
	[sflag:s4] =	ssyncadd.s32 $0xFFFFFF80  }
0x13: {  	[tilespmem:s11], [sflag:$0x2] =	stream.linear.gather [hbm4b:s10+s3], $0x80, $0x38;
	[tilespmem:$0x8200] =	vst v63  }
0x14: {  	_ =	swait.ge [sflag:s4], $0x80  }
0x15: {  	[sflag:s4] =	ssyncset.done $0x0  }
0x16: {  	s12 =	simm.s32 $0x200;
	[sflag:s4] =	ssyncadd.s32 $0xFFFFFF80  }
0x17: {  	[tilespmem:s12], [sflag:$0x1] =	stream.indirect.gather [hbm4b:s1+s7], $0x40, s3, s7, $0xb8;
	[tilespmem:$0x8200] =	vst v63  }
0x18: {  	s13 =	simm.s32 $0x2200  }
0x19: {  	[tilespmem:s13], [sflag:$0x1] =	stream.indirect.gather [hbm4b:s1+s7], $0x40, s7, s7, $0xb8;
	[tilespmem:$0x8200] =	vst v63  }
0x1a: {  	s14 =	simm.s32 $0x4200  }
0x1b: {  	[tilespmem:s14], [sflag:$0x1] =	stream.indirect.gather [hbm4b:s1+s7], $0x40, s9, s7, $0xb8;
	[tilespmem:$0x8200] =	vst v63  }
0x1c: {  	s15 =	simm.s32 $0x1;
	s16 =	simm.s32 $0x6200  }
0x1d: {  	[tilespmem:s16], [sflag:$0x1] =	stream.indirect.gather [hbm4b:s1+s7], $0x40, s11, s7, $0xb8;
	[tilespmem:$0x8200] =	vst v63  }
0x1e: {  	_ =	swait.ge [sflag:s15], $0x2000  }
0x1f: {  	[sflag:s15] =	ssyncset.done $0x0  }
0x20: {  	p1 =	seq.s32 s18, $0x1;
	[sflag:s15] =	ssyncadd.s32 $0xFFFFE000  }
0x21: {  	s20 =	sshll.u32 s18, $0x6;
	p0 =	seq.s32 s19, $0x0;
	_ =	swait.ge [sflag:s15], $0x2000  }
0x22: {  	s18 =	ssub.s32 $0x2, s18;
	p0 =	por !p0, !p1;
	[sflag:s15] =	ssyncset.done $0x0  }
0x23: {  	s19 =	simm.s32 $0x1;
	p0 =	por !p0, !p0;
	[sflag:s15] =	ssyncadd.s32 $0xFFFFE000  }
0x24: {  	s30 =	sshrl.u32 s18, $0x1;
	s19 =	simm.s32 @!p0 $0x0;
	_ =	swait.ge [sflag:s15], $0x2000  }
0x25: {  	s18 =	ssub.s32 s18, s30;
	s19 =	ssub.s32 s0, s19;
	[sflag:s15] =	ssyncset.done $0x0  }
0x26: {  	s31 =	smax.u32 s18, $0x1;
	s19 =	sshll.u32 s19, $0x10;
	[sflag:s15] =	ssyncadd.s32 $0xFFFFE000  }
0x27: {  	p0 =	sne.s32 s31, $0x1;
	s19 =	sor.u32 s20, s19;
	_ =	swait.ge [sflag:s15], $0x2000  }
.Ltmp0:
0x28: {  	s19 =	sshrl.u32 s19, $0x3;
	[sflag:s15] =	ssyncset.done $0x0;
	(pc) =	sbr.rel @!p0 .LBB2_2-.Ltmp0, $4  }
0x29: {  	s18 =	simm.s32 $0x40;
	s17 =	sadd.s32 s17, s19;
	[sflag:s15] =	ssyncadd.s32 $0xFFFFE000  }
0x2a: {  	[hbm4b:s17+s18] =	stream.strided.scatter [tilespmem:s12], [sflag:$0x2], $0x8000, s7, s18, $0x38;
	[tilespmem:$0x8200] =	vst v63  }
0x2b: {  	_ =	swait.ge [sflag:s4], $0x8000  }
0x2c: {  	s19 =	sadd.s32 $0xFFFFFFFF, s31;
	[sflag:s4] =	ssyncset.done $0x0  }
.LBB2_1:
0x2d: {  	p0 =	sne.s32 s19, $0x1;
	s19 =	sadd.s32 $0xFFFFFFFF, s19;
	[sflag:s4] =	ssyncadd.s32 $0xFFFF8000  }
0x2e: {  	[tilespmem:s3], [sflag:$0x2] =	stream.linear.gather [hbm4b:s5+s3], $0x80, $0x38;
	[tilespmem:$0x8200] =	vst v63  }
0x2f: {  	_ =	swait.ge [sflag:s4], $0x80  }
0x30: {  	[sflag:s4] =	ssyncset.done $0x0  }
0x31: {  	[sflag:s4] =	ssyncadd.s32 $0xFFFFFF80  }
0x32: {  	[tilespmem:s7], [sflag:$0x2] =	stream.linear.gather [hbm4b:s6+s3], $0x80, $0x38;
	[tilespmem:$0x8200] =	vst v63  }
0x33: {  	_ =	swait.ge [sflag:s4], $0x80  }
0x34: {  	[sflag:s4] =	ssyncset.done $0x0  }
0x35: {  	[sflag:s4] =	ssyncadd.s32 $0xFFFFFF80  }
0x36: {  	[tilespmem:s9], [sflag:$0x2] =	stream.linear.gather [hbm4b:s8+s3], $0x80, $0x38;
	[tilespmem:$0x8200] =	vst v63  }
0x37: {  	_ =	swait.ge [sflag:s4], $0x80  }
0x38: {  	[sflag:s4] =	ssyncset.done $0x0  }
0x39: {  	[sflag:s4] =	ssyncadd.s32 $0xFFFFFF80  }
0x3a: {  	[tilespmem:s11], [sflag:$0x2] =	stream.linear.gather [hbm4b:s10+s3], $0x80, $0x38;
	[tilespmem:$0x8200] =	vst v63  }
0x3b: {  	_ =	swait.ge [sflag:s4], $0x80  }
0x3c: {  	[sflag:s4] =	ssyncset.done $0x0  }
0x3d: {  	[sflag:s4] =	ssyncadd.s32 $0xFFFFFF80  }
0x3e: {  	[tilespmem:s12], [sflag:$0x1] =	stream.indirect.gather [hbm4b:s1+s7], $0x40, s3, s7, $0xb8;
	[tilespmem:$0x8200] =	vst v63  }
0x3f: {  	_ = 	snop  }
0x40: {  	[tilespmem:s13], [sflag:$0x1] =	stream.indirect.gather [hbm4b:s1+s7], $0x40, s7, s7, $0xb8;
	[tilespmem:$0x8200] =	vst v63  }
0x41: {  	_ = 	snop  }
0x42: {  	[tilespmem:s14], [sflag:$0x1] =	stream.indirect.gather [hbm4b:s1+s7], $0x40, s9, s7, $0xb8;
	[tilespmem:$0x8200] =	vst v63  }
0x43: {  	_ = 	snop  }
0x44: {  	[tilespmem:s16], [sflag:$0x1] =	stream.indirect.gather [hbm4b:s1+s7], $0x40, s11, s7, $0xb8;
	[tilespmem:$0x8200] =	vst v63  }
0x45: {  	_ =	swait.ge [sflag:s15], $0x2000  }
0x46: {  	[sflag:s15] =	ssyncset.done $0x0  }
0x47: {  	[sflag:s15] =	ssyncadd.s32 $0xFFFFE000  }
0x48: {  	_ =	swait.ge [sflag:s15], $0x2000  }
0x49: {  	[sflag:s15] =	ssyncset.done $0x0  }
0x4a: {  	[sflag:s15] =	ssyncadd.s32 $0xFFFFE000  }
0x4b: {  	_ =	swait.ge [sflag:s15], $0x2000  }
0x4c: {  	[sflag:s15] =	ssyncset.done $0x0  }
0x4d: {  	[sflag:s15] =	ssyncadd.s32 $0xFFFFE000  }
0x4e: {  	_ =	swait.ge [sflag:s15], $0x2000  }
.Ltmp1:
0x4f: {  	[sflag:s15] =	ssyncset.done $0x0;
	(pc) =	sbr.rel @p0 .LBB2_1-.Ltmp1, $4  }
0x50: {  	[sflag:s15] =	ssyncadd.s32 $0xFFFFE000  }
0x51: {  	[hbm4b:s17+s18] =	stream.strided.scatter [tilespmem:s12], [sflag:$0x2], $0x8000, s7, s18, $0x38;
	[tilespmem:$0x8200] =	vst v63  }
0x52: {  	_ =	swait.ge [sflag:s4], $0x8000  }
0x53: {  	[sflag:s4] =	ssyncset.done $0x0  }
.LBB2_2:
0x54: {  	[sflag:s4] =	ssyncadd.s32 $0xFFFF8000  }
0x55: {  	_ =	sfence.sel $0x180000  }
0x56: {  	[bflag:$0x0] =	sbarrier.arrive $0xFFFF  }
0x57: {  	p0 =	sne.s32 s0, $0x0;
	_ =	strace $0x90000047  }
0x58: {  	s0 =	sadd.s32 @!p0 $0x100000, s2;
	[bflag:$0x2] =	sbarrier.arrive $0xFFFF  }
0x59: {  	[sflag:s0] =	ssyncadd.tile.s32 @!p0 $0x1;
	_ =	shalt  }
.Lfunc_end2:
_tile_overlayer_lowered:
.L_overlay_start_2:
0x5a: {  	(tag) =	ssettag $0x2  }
0x5b: {  	s0 =	rddreg [dreg:$0x0];
	s2 =	stileid.u32  }
0x5c: {  	s1 =	rddreg [dreg:$0x1];
	p0 =	sne.s32 s2, $0x0  }
0x5d: {  	s3 =	rddreg [dreg:$0x2];
	[bflag:$0x3] =	sbarrier.arrive $0xFFFF;
	s2 =	simm.s32 @!p0 $0x1C02  }
0x5e: {  	[timem:s3], [sflag:s2] =	dma.local @!p0 [hbm:s0], s1  }
0x5f: {  	s0 =	simm.s32 @!p0 $0x2  }
0x60: {  	_ =	swait.ge @!p0 [sflag:s0], s1  }
0x61: {  	s1 =	ssub.s32 @!p0 $0x0, s1;
	[sflag:s0] =	ssyncset.done @!p0 $0x0  }
0x62: {  	[sflag:s0] =	ssyncadd.s32 @!p0 s1  }
0x63: {  	[bflag:$0x3] =	sbarrier.arrive $0xFFFF  }
0x64: {  	_ =	shalt  }

</sc_bundles>
